<compile_context>
chip_gen: v7x
topology: tpu7x:2x2x1
jax: 0.10.2.dev20260603
libtpu: 0.0.44.dev20260713+nightly
codegen_flags: <defaults>
</compile_context>

<pallas_src>
import functools

import jax
import jax.numpy as jnp
from jax import lax
from jax.experimental import pallas as pl
from jax.experimental.pallas import tpu as pltpu
from jax.experimental.pallas import tpu_sc as plsc

_NC = 2
_NS = 16
_NW = _NC * _NS
_L = 16
_ZR = 0.8


def _trans_body(x_ref, w0_ref, b0_ref, g0_ref, t0_ref, w1_ref, b1_ref, g1_ref,
                t1_ref, base_ref, swap_ref):
  x = x_ref[...]

  def tr(w, b, g, t):
    h = jnp.dot(x, w, preferred_element_type=jnp.float32) + b
    m = jnp.mean(h, axis=-1, keepdims=True)
    v = jnp.mean((h - m) * (h - m), axis=-1, keepdims=True)
    h = (h - m) / jnp.sqrt(v + 1e-5) * g + t
    return jnp.maximum(h, 0.0)

  x0 = tr(w0_ref[...], b0_ref[...], g0_ref[...], t0_ref[...])
  x1 = tr(w1_ref[...], b1_ref[...], g1_ref[...], t1_ref[...])
  base_ref[...] = _ZR * x0 + (1.0 - _ZR) * x1
  swap_ref[...] = _ZR * x1 + (1.0 - _ZR) * x0


def _transforms(xp, w0, b0, g0, t0, w1, b1, g1, t1, br):
  np_, c = xp.shape
  grid = (np_ // br,)
  row_spec = pl.BlockSpec((br, c), lambda i: (i, 0))
  mat_spec = pl.BlockSpec((c, c), lambda i: (0, 0))
  vec_spec = pl.BlockSpec((1, c), lambda i: (0, 0))
  out_sds = jax.ShapeDtypeStruct((np_, c), jnp.float32)
  return pl.pallas_call(
      _trans_body,
      grid=grid,
      in_specs=[row_spec, mat_spec, vec_spec, vec_spec, vec_spec,
                mat_spec, vec_spec, vec_spec, vec_spec],
      out_specs=[row_spec, row_spec],
      out_shape=[out_sds, out_sds],
  )(xp, w0, b0.reshape(1, c), g0.reshape(1, c), t0.reshape(1, c),
    w1, b1.reshape(1, c), g1.reshape(1, c), t1.reshape(1, c))


def _mix_overwrite(base, swap, r_pad, c_pad, rpt):
  np_, c = base.shape
  ngrp = r_pad.shape[0] // _L
  mesh = plsc.VectorSubcoreMesh(core_axis_name="c", subcore_axis_name="s")

  @functools.partial(
      pl.kernel,
      out_type=jax.ShapeDtypeStruct((np_, c), jnp.float32),
      mesh=mesh,
      compiler_params=pltpu.CompilerParams(needs_layout_passes=False),
      scratch_types=[
          pltpu.VMEM((rpt, c), jnp.float32),
          pltpu.VMEM((rpt, c), jnp.float32),
          pltpu.VMEM((r_pad.shape[0],), jnp.int32),
          pltpu.VMEM((r_pad.shape[0],), jnp.int32),
      ],
  )
  def k(base_hbm, swap_hbm, r_hbm, c_hbm, out_hbm, xloc, sloc, rbuf, cbuf):
    cid = lax.axis_index("c")
    sid = lax.axis_index("s")
    wid = cid * _NS + sid
    row0 = wid * rpt
    pltpu.sync_copy(base_hbm.at[pl.ds(row0, rpt)], xloc)
    pltpu.sync_copy(swap_hbm.at[pl.ds(row0, rpt)], sloc)
    pltpu.sync_copy(r_hbm, rbuf)
    pltpu.sync_copy(c_hbm, cbuf)

    def body(g, carry):
      r16 = rbuf[pl.ds(g * _L, _L)]
      c16 = cbuf[pl.ds(g * _L, _L)]
      lr = r16 - row0
      msk = (lr >= 0) & (lr < rpt)
      lrc = jnp.clip(lr, 0, rpt - 1)
      c16c = jnp.clip(c16, 0, c - 1)
      v = plsc.load_gather(sloc, [lrc, c16c], mask=msk)
      plsc.store_scatter(xloc, [lrc, c16c], v, mask=msk)
      return carry

    lax.fori_loop(0, ngrp, body, 0)
    pltpu.sync_copy(xloc, out_hbm.at[pl.ds(row0, rpt)])

  return k(base, swap, r_pad, c_pad)


def _spmm_t(xT3, meta, np_, ch):
  ncol = xT3.shape[1]
  nch = meta.shape[0] // (3 * ch)
  npg = ch // _L
  mesh = plsc.VectorSubcoreMesh(core_axis_name="c", subcore_axis_name="s")

  @functools.partial(
      pl.kernel,
      out_type=jax.ShapeDtypeStruct((_NW, ncol + 1, np_), jnp.float32),
      mesh=mesh,
      compiler_params=pltpu.CompilerParams(needs_layout_passes=False),
      scratch_types=[
          pltpu.VMEM((ncol, np_), jnp.float32),
          pltpu.VMEM((ncol + 1, np_), jnp.float32),
          pltpu.VMEM((3 * ch,), jnp.int32),
          pltpu.VMEM((3 * ch,), jnp.int32),
          pltpu.SemaphoreType.DMA,
          pltpu.SemaphoreType.DMA,
      ],
  )
  def k(x_hbm, m_hbm, out_hbm, xs, acc, mb0, mb1, sem0, sem1):
    cid = lax.axis_index("c")
    sid = lax.axis_index("s")
    wid = cid * _NS + sid
    pltpu.sync_copy(x_hbm.at[wid], xs)

    zv = jnp.zeros((_L,), jnp.float32)

    @plsc.parallel_loop(0, np_ // _L, unroll=4)
    def zb(i):
      for j in range(ncol + 1):
        acc[j, pl.ds(i * _L, _L)] = zv

    ones16 = jnp.full((_L,), 1.0, jnp.float32)
    cnt_row = jnp.full((_L,), ncol, jnp.int32)

    def start(i, mb, sem):
      kc = (i + wid) % nch
      pltpu.async_copy(m_hbm.at[pl.ds(kc * 3 * ch, 3 * ch)], mb, sem)

    def wait(mb, sem):
      pltpu.make_async_copy(m_hbm.at[pl.ds(0, 3 * ch)], mb, sem).wait()

    def run_groups(mb):
      @plsc.parallel_loop(0, npg, unroll=16)
      def grp(g):
        r16 = mb[pl.ds(g * _L, _L)]
        c16 = mb[pl.ds(ch + g * _L, _L)]
        w16 = plsc.bitcast(mb[pl.ds(2 * ch + g * _L, _L)], jnp.float32)
        vs = []
        for j in range(ncol):
          jv = jnp.full((_L,), j, jnp.int32)
          vs.append(plsc.load_gather(xs, [jv, c16]) * w16)
        for j in range(ncol):
          jv = jnp.full((_L,), j, jnp.int32)
          plsc.addupdate_scatter(acc, [jv, r16], vs[j])

    start(0, mb0, sem0)

    def chunk2(j, carry):
      i0 = 2 * j
      wait(mb0, sem0)
      start(i0 + 1, mb1, sem1)
      run_groups(mb0)
      wait(mb1, sem1)
      start((i0 + 2) % nch, mb0, sem0)
      run_groups(mb1)
      return carry

    lax.fori_loop(0, nch // 2, chunk2, 0)
    wait(mb0, sem0)

    def cchunk(i2, carry):
      kc = wid + i2 * _NW

      @pl.when(kc < nch)
      def _():
        pltpu.sync_copy(m_hbm.at[pl.ds(kc * 3 * ch, 3 * ch)], mb0)

        @plsc.parallel_loop(0, npg, unroll=8)
        def cgrp(g):
          r16 = mb0[pl.ds(g * _L, _L)]
          plsc.addupdate_scatter(acc, [cnt_row, r16], ones16)

      return carry

    lax.fori_loop(0, (nch + _NW - 1) // _NW, cchunk, 0)
    pltpu.sync_copy(acc, out_hbm.at[wid])

  return k(xT3, meta)


def _out_body(ft_ref, cnt_ref, w_ref, b_ref, o_ref):
  n = jnp.sum(cnt_ref[...], axis=0, keepdims=True)
  aggt = ft_ref[...] / jnp.maximum(n, 1.0)
  o_ref[...] = jnp.maximum(
      jax.lax.dot_general(aggt, w_ref[...], (((0,), (0,)), ((), ())),
                          preferred_element_type=jnp.float32) + b_ref[...],
      0.0)


def _out_linear(ft, cnt, wout, bout, br):
  c, np_ = ft.shape
  grid = (np_ // br,)
  return pl.pallas_call(
      _out_body,
      grid=grid,
      in_specs=[pl.BlockSpec((c, br), lambda i: (0, i)),
                pl.BlockSpec((_NW, br), lambda i: (0, i)),
                pl.BlockSpec((c, c), lambda i: (0, 0)),
                pl.BlockSpec((1, c), lambda i: (0, 0))],
      out_specs=pl.BlockSpec((br, c), lambda i: (i, 0)),
      out_shape=jax.ShapeDtypeStruct((np_, c), jnp.float32),
  )(ft, cnt, wout, bout.reshape(1, c))


def kernel(x_, edge_index, edge_weight, n2s_row, n2s_col,
           W0, b0, g0, beta0, W1, b1, g1, beta1, Wout, bout):
  n, c = x_.shape
  e = edge_weight.shape[0]
  nnz = n2s_row.shape[0]

  rpt = ((n + _NW - 1) // _NW + 63) // 64 * 64
  np_ = rpt * _NW
  ch = 1280
  assert e % (2 * ch) == 0 and (e // ch) >= _NW, e

  xp = jnp.pad(x_, ((0, np_ - n), (0, 0)))
  base, swap = _transforms(xp, W0, b0, g0, beta0, W1, b1, g1, beta1, 1024)

  nnz_pad = (nnz + _L - 1) // _L * _L
  r_pad = jnp.pad(n2s_row.astype(jnp.int32), (0, nnz_pad - nnz),
                  constant_values=-1)
  c_pad = jnp.pad(n2s_col.astype(jnp.int32), (0, nnz_pad - nnz))
  xf = _mix_overwrite(base, swap, r_pad, c_pad, rpt)

  xT3 = jnp.transpose(xf).reshape(_NW, c // _NW, np_)
  nch = e // ch
  meta = jnp.stack([
      edge_index[0].astype(jnp.int32).reshape(nch, ch),
      edge_index[1].astype(jnp.int32).reshape(nch, ch),
      jax.lax.bitcast_convert_type(edge_weight, jnp.int32).reshape(nch, ch),
  ], axis=1).reshape(-1)
  acc = _spmm_t(xT3, meta, np_, ch)

  ft = acc[:, : c // _NW, :].reshape(c, np_)
  cnt = acc[:, c // _NW, :]
  out = _out_linear(ft, cnt, Wout, bout, 1024)
  return out[:n]

# --- scband reference (transcript-rebuilt; emitter-appended) ---
"""Pipeline reference for scband-simple-conv-55130200211996 (READ-ONLY COPY).

The authoritative reference and input builder live on the scoring server;
editing this copy changes nothing except your own understanding.
"""

import jax, jax.numpy as jnp
import numpy as np

N = 10000
E = 320000
C = 128
NNZ = 5000
Z_RATIO = 0.8


def _layernorm(x, g, b, eps=1e-5):
    m = jnp.mean(x, axis=-1, keepdims=True)
    v = jnp.var(x, axis=-1, keepdims=True)
    return (x - m) / jnp.sqrt(v + eps) * g + b


def _trans_fn(x, W, b, g, beta):
    # Linear -> LayerNorm -> Dropout(eval: identity) -> ReLU
    h = x @ W + b
    h = _layernorm(h, g, beta)
    return jax.nn.relu(h)


def setup_inputs(seed: int = 0) -> dict:
    key = jax.random.key(seed)
    ks = jax.random.split(key, 16)
    inp = {
        "x_": jax.random.normal(ks[0], (N, C), dtype=jnp.float32),
        "edge_index": jax.random.randint(ks[1], (2, E), 0, N, dtype=jnp.int64 if jax.config.jax_enable_x64 else jnp.int32).astype(jnp.int32),
        "edge_weight": jax.random.uniform(ks[2], (E,), dtype=jnp.float32),
        "n2s_row": jax.random.randint(ks[3], (NNZ,), 0, N).astype(jnp.int32),
        "n2s_col": jax.random.randint(ks[4], (NNZ,), 0, C).astype(jnp.int32),
        "W0": jax.random.normal(ks[5], (C, C), dtype=jnp.float32) * 0.05,
        "b0": jnp.zeros((C,), dtype=jnp.float32),
        "g0": jnp.ones((C,), dtype=jnp.float32),
        "beta0": jnp.zeros((C,), dtype=jnp.float32),
        "W1": jax.random.normal(ks[6], (C, C), dtype=jnp.float32) * 0.05,
        "b1": jnp.zeros((C,), dtype=jnp.float32),
        "g1": jnp.ones((C,), dtype=jnp.float32),
        "beta1": jnp.zeros((C,), dtype=jnp.float32),
        "Wout": jax.random.normal(ks[7], (C, C), dtype=jnp.float32) * 0.05,
        "bout": jnp.zeros((C,), dtype=jnp.float32),
    }
    return inp


def reference(x_, edge_index, edge_weight, n2s_row, n2s_col,
              W0, b0, g0, beta0, W1, b1, g1, beta1, Wout, bout):
    # per-label transforms
    x1 = _trans_fn(x_, W1, b1, g1, beta1)
    x0 = _trans_fn(x_, W0, b0, g0, beta0)
    # mix: default mixture, overwritten at node2subg coo positions
    x = Z_RATIO * x0 + (1.0 - Z_RATIO) * x1
    mixed = Z_RATIO * x1[n2s_row, n2s_col] + (1.0 - Z_RATIO) * x0[n2s_row, n2s_col]
    x = x.at[n2s_row, n2s_col].set(mixed)
    # spmm_mean over adjacency built from (edge_index, edge_weight)
    row = edge_index[0]
    col = edge_index[1]
    msg = edge_weight[:, None] * jnp.take(x, col, axis=0)
    s = jax.ops.segment_sum(msg, row, num_segments=N)
    cnt = jax.ops.segment_sum(jnp.ones((E,), dtype=jnp.float32), row, num_segments=N)
    agg = s / jnp.clip(cnt, 1.0)[:, None]
    # lin_out: Linear -> ReLU
    out = jax.nn.relu(agg @ Wout + bout)
    return out

if __name__ == "__main__":
    import jax
    _d = setup_inputs()
    print(jax.jit(kernel)(*tuple(_d.values())))

</pallas_src>

<mosaic_0001>
#map = affine_map<(d0, d1) -> (0, 0)>
#map1 = affine_map<(d0, d1) -> (0)>
module attributes {stable_mosaic.version = 14 : i64} {
  func.func @k(%arg0: i32, %arg1: i32, %arg2: memref<10240x128xf32, #tpu.memory_space<hbm>>, %arg3: memref<10240x128xf32, #tpu.memory_space<hbm>>, %arg4: memref<5008xi32, #tpu.memory_space<hbm>>, %arg5: memref<5008xi32, #tpu.memory_space<hbm>>, %arg6: memref<10240x128xf32, #tpu.memory_space<hbm>>, %arg7: memref<320x128xf32, #tpu.memory_space<vmem>>, %arg8: memref<320x128xf32, #tpu.memory_space<vmem>>, %arg9: memref<5008xi32, #tpu.memory_space<vmem>>, %arg10: memref<5008xi32, #tpu.memory_space<vmem>>) attributes {dimension_semantics = [#tpu.dimension_semantics<core_parallel>, #tpu.dimension_semantics<subcore_parallel>], iteration_bounds = array<i64: 2, 16>, scalar_prefetch = 0 : i64, scratch_operands = 4 : i64, tpu.core_type = #tpu.core_type<sc_vector_subcore>, window_params = [{transform_indices = #map}, {transform_indices = #map}, {transform_indices = #map1}, {transform_indices = #map1}, {transform_indices = #map}]} {
    %mul3A = arith.constant 16 : i32
    %mul3A_0 = arith.muli %arg0, %mul3A : i32
    %add3A = arith.addi %mul3A_0, %arg1 : i32
    %mul3A_1 = arith.constant 320 : i32
    %mul3A_2 = arith.muli %add3A, %mul3A_1 : i32
    "tpu.region"() ({
      %run_scoped3A = tpu.sem_alloc : memref<!tpu.dma_semaphore, #tpu.memory_space<semaphore_mem>>
      %dma_start3A = arith.constant 0 : i32
      %dma_start3A_8 = tpu.memref_slice %arg2[%mul3A_2, %dma_start3A] : memref<10240x128xf32, #tpu.memory_space<hbm>> -> memref<320x128xf32, #tpu.memory_space<hbm>>
      %dma_start3A_9 = arith.constant 0 : i32
      %dma_start3A_10 = tpu.memref_slice %arg2[%mul3A_2, %dma_start3A_9] : memref<10240x128xf32, #tpu.memory_space<hbm>> -> memref<320x128xf32, #tpu.memory_space<hbm>>
      tpu.enqueue_dma source(%dma_start3A_10 : memref<320x128xf32, #tpu.memory_space<hbm>>) target(%arg7 : memref<320x128xf32, #tpu.memory_space<vmem>>) target_semaphore(%run_scoped3A : memref<!tpu.dma_semaphore, #tpu.memory_space<semaphore_mem>>)
      %dma_wait3A = arith.constant 0 : i32
      %dma_wait3A_11 = tpu.memref_slice %arg2[%mul3A_2, %dma_wait3A] : memref<10240x128xf32, #tpu.memory_space<hbm>> -> memref<320x128xf32, #tpu.memory_space<hbm>>
      %dma_wait3A_12 = arith.constant 0 : i32
      %dma_wait3A_13 = tpu.memref_slice %arg2[%mul3A_2, %dma_wait3A_12] : memref<10240x128xf32, #tpu.memory_space<hbm>> -> memref<320x128xf32, #tpu.memory_space<hbm>>
      tpu.wait_dma2 semaphore(%run_scoped3A : memref<!tpu.dma_semaphore, #tpu.memory_space<semaphore_mem>>) src(%dma_wait3A_13 : memref<320x128xf32, #tpu.memory_space<hbm>>) dst(%arg7 : memref<320x128xf32, #tpu.memory_space<vmem>>)
      tpu.yield
    }) : () -> ()
    "tpu.region"() ({
      %run_scoped3A = tpu.sem_alloc : memref<!tpu.dma_semaphore, #tpu.memory_space<semaphore_mem>>
      %dma_start3A = arith.constant 0 : i32
      %dma_start3A_8 = tpu.memref_slice %arg3[%mul3A_2, %dma_start3A] : memref<10240x128xf32, #tpu.memory_space<hbm>> -> memref<320x128xf32, #tpu.memory_space<hbm>>
      %dma_start3A_9 = arith.constant 0 : i32
      %dma_start3A_10 = tpu.memref_slice %arg3[%mul3A_2, %dma_start3A_9] : memref<10240x128xf32, #tpu.memory_space<hbm>> -> memref<320x128xf32, #tpu.memory_space<hbm>>
      tpu.enqueue_dma source(%dma_start3A_10 : memref<320x128xf32, #tpu.memory_space<hbm>>) target(%arg8 : memref<320x128xf32, #tpu.memory_space<vmem>>) target_semaphore(%run_scoped3A : memref<!tpu.dma_semaphore, #tpu.memory_space<semaphore_mem>>)
      %dma_wait3A = arith.constant 0 : i32
      %dma_wait3A_11 = tpu.memref_slice %arg3[%mul3A_2, %dma_wait3A] : memref<10240x128xf32, #tpu.memory_space<hbm>> -> memref<320x128xf32, #tpu.memory_space<hbm>>
      %dma_wait3A_12 = arith.constant 0 : i32
      %dma_wait3A_13 = tpu.memref_slice %arg3[%mul3A_2, %dma_wait3A_12] : memref<10240x128xf32, #tpu.memory_space<hbm>> -> memref<320x128xf32, #tpu.memory_space<hbm>>
      tpu.wait_dma2 semaphore(%run_scoped3A : memref<!tpu.dma_semaphore, #tpu.memory_space<semaphore_mem>>) src(%dma_wait3A_13 : memref<320x128xf32, #tpu.memory_space<hbm>>) dst(%arg8 : memref<320x128xf32, #tpu.memory_space<vmem>>)
      tpu.yield
    }) : () -> ()
    "tpu.region"() ({
      %run_scoped3A = tpu.sem_alloc : memref<!tpu.dma_semaphore, #tpu.memory_space<semaphore_mem>>
      tpu.enqueue_dma source(%arg4 : memref<5008xi32, #tpu.memory_space<hbm>>) target(%arg9 : memref<5008xi32, #tpu.memory_space<vmem>>) target_semaphore(%run_scoped3A : memref<!tpu.dma_semaphore, #tpu.memory_space<semaphore_mem>>)
      tpu.wait_dma2 semaphore(%run_scoped3A : memref<!tpu.dma_semaphore, #tpu.memory_space<semaphore_mem>>) src(%arg4 : memref<5008xi32, #tpu.memory_space<hbm>>) dst(%arg9 : memref<5008xi32, #tpu.memory_space<vmem>>)
      tpu.yield
    }) : () -> ()
    "tpu.region"() ({
      %run_scoped3A = tpu.sem_alloc : memref<!tpu.dma_semaphore, #tpu.memory_space<semaphore_mem>>
      tpu.enqueue_dma source(%arg5 : memref<5008xi32, #tpu.memory_space<hbm>>) target(%arg10 : memref<5008xi32, #tpu.memory_space<vmem>>) target_semaphore(%run_scoped3A : memref<!tpu.dma_semaphore, #tpu.memory_space<semaphore_mem>>)
      tpu.wait_dma2 semaphore(%run_scoped3A : memref<!tpu.dma_semaphore, #tpu.memory_space<semaphore_mem>>) src(%arg5 : memref<5008xi32, #tpu.memory_space<hbm>>) dst(%arg10 : memref<5008xi32, #tpu.memory_space<vmem>>)
      tpu.yield
    }) : () -> ()
    %scan3A = arith.constant 0 : i32
    %scan3A_3 = arith.constant 0 : i32
    %scan3A_4 = arith.constant 313 : i32
    %scan3A_5 = arith.addi %scan3A_3, %scan3A_4 : i32
    %scan3A_6 = arith.constant 1 : i32
    scf.for %scan3A_8 = %scan3A_3 to %scan3A_5 step %scan3A_6  : i32 {
      %mul3A_9 = arith.constant 16 : i32
      %mul3A_10 = arith.muli %scan3A_8, %mul3A_9 : i32
      %get3A = arith.index_cast %mul3A_10 : i32 to index
      %get3A_11 = tpu.vector_load %arg9[%get3A] {strides = array<i32>} : memref<5008xi32, #tpu.memory_space<vmem>>, vector<16xi32>,
      %mul3A_12 = arith.constant 16 : i32
      %mul3A_13 = arith.muli %scan3A_8, %mul3A_12 : i32
      %get3A_14 = arith.index_cast %mul3A_13 : i32 to index
      %get3A_15 = tpu.vector_load %arg10[%get3A_14] {strides = array<i32>} : memref<5008xi32, #tpu.memory_space<vmem>>, vector<16xi32>,
      %sub3A = vector.broadcast %mul3A_2 : i32 to vector<16xi32>
      %sub3A_16 = arith.subi %get3A_11, %sub3A : vector<16xi32>
      %ge3A = arith.constant 0 : i32
      %ge3A_17 = vector.broadcast %ge3A : i32 to vector<16xi32>
      %ge3A_18 = arith.cmpi sge, %sub3A_16, %ge3A_17 : vector<16xi32>
      %lt3A = arith.constant 320 : i32
      %lt3A_19 = vector.broadcast %lt3A : i32 to vector<16xi32>
      %lt3A_20 = arith.cmpi slt, %sub3A_16, %lt3A_19 : vector<16xi32>
      %and3A = arith.andi %ge3A_18, %lt3A_20 : vector<16xi1>
      %jit3A = arith.constant 0 : i32
      %jit3A_21 = arith.constant 319 : i32
      %max3A = vector.broadcast %jit3A : i32 to vector<16xi32>
      %max3A_22 = arith.maxsi %max3A, %sub3A_16 : vector<16xi32>
      %min3A = vector.broadcast %jit3A_21 : i32 to vector<16xi32>
      %min3A_23 = arith.minsi %min3A, %max3A_22 : vector<16xi32>
      %jit3A_24 = arith.constant 0 : i32
      %jit3A_25 = arith.constant 127 : i32
      %max3A_26 = vector.broadcast %jit3A_24 : i32 to vector<16xi32>
      %max3A_27 = arith.maxsi %max3A_26, %get3A_15 : vector<16xi32>
      %min3A_28 = vector.broadcast %jit3A_25 : i32 to vector<16xi32>
      %min3A_29 = arith.minsi %min3A_28, %max3A_27 : vector<16xi32>
      %gather3A = tpu.vector_load_idx %arg8[%min3A_23, %min3A_29] masked %and3A : memref<320x128xf32, #tpu.memory_space<vmem>>[vector<16xi32>, vector<16xi32>], vector<16xf32>, vector<16xi1>
      tpu.vector_store_idx %arg7[%min3A_23, %min3A_29], %gather3A masked %and3A : memref<320x128xf32, #tpu.memory_space<vmem>>[vector<16xi32>, vector<16xi32>], vector<16xf32>, vector<16xi1>
    }
    %scan3A_7 = arith.constant 313 : i32
    "tpu.region"() ({
      %run_scoped3A = tpu.sem_alloc : memref<!tpu.dma_semaphore, #tpu.memory_space<semaphore_mem>>
      %dma_start3A = arith.constant 0 : i32
      %dma_start3A_8 = tpu.memref_slice %arg6[%mul3A_2, %dma_start3A] : memref<10240x128xf32, #tpu.memory_space<hbm>> -> memref<320x128xf32, #tpu.memory_space<hbm>>
      %dma_start3A_9 = arith.constant 0 : i32
      %dma_start3A_10 = tpu.memref_slice %arg6[%mul3A_2, %dma_start3A_9] : memref<10240x128xf32, #tpu.memory_space<hbm>> -> memref<320x128xf32, #tpu.memory_space<hbm>>
      tpu.enqueue_dma source(%arg7 : memref<320x128xf32, #tpu.memory_space<vmem>>) target(%dma_start3A_10 : memref<320x128xf32, #tpu.memory_space<hbm>>) target_semaphore(%run_scoped3A : memref<!tpu.dma_semaphore, #tpu.memory_space<semaphore_mem>>)
      %dma_wait3A = arith.constant 0 : i32
      %dma_wait3A_11 = tpu.memref_slice %arg6[%mul3A_2, %dma_wait3A] : memref<10240x128xf32, #tpu.memory_space<hbm>> -> memref<320x128xf32, #tpu.memory_space<hbm>>
      %dma_wait3A_12 = arith.constant 0 : i32
      %dma_wait3A_13 = tpu.memref_slice %arg6[%mul3A_2, %dma_wait3A_12] : memref<10240x128xf32, #tpu.memory_space<hbm>> -> memref<320x128xf32, #tpu.memory_space<hbm>>
      tpu.wait_dma2 semaphore(%run_scoped3A : memref<!tpu.dma_semaphore, #tpu.memory_space<semaphore_mem>>) src(%arg7 : memref<320x128xf32, #tpu.memory_space<vmem>>) dst(%dma_wait3A_13 : memref<320x128xf32, #tpu.memory_space<hbm>>)
      tpu.yield
    }) : () -> ()
    return
  }
}

#map = affine_map<(d0, d1) -> (0, 0, 0)>
#map1 = affine_map<(d0, d1) -> (0)>
module attributes {stable_mosaic.version = 14 : i64} {
  func.func @k(%arg0: i32, %arg1: i32, %arg2: memref<32x4x10240xf32, #tpu.memory_space<hbm>>, %arg3: memref<960000xi32, #tpu.memory_space<hbm>>, %arg4: memref<32x5x10240xf32, #tpu.memory_space<hbm>>, %arg5: memref<4x10240xf32, #tpu.memory_space<vmem>>, %arg6: memref<5x10240xf32, #tpu.memory_space<vmem>>, %arg7: memref<3840xi32, #tpu.memory_space<vmem>>, %arg8: memref<3840xi32, #tpu.memory_space<vmem>>, %arg9: memref<!tpu.dma_semaphore, #tpu.memory_space<semaphore_mem>>, %arg10: memref<!tpu.dma_semaphore, #tpu.memory_space<semaphore_mem>>) attributes {dimension_semantics = [#tpu.dimension_semantics<core_parallel>, #tpu.dimension_semantics<subcore_parallel>], iteration_bounds = array<i64: 2, 16>, scalar_prefetch = 0 : i64, scratch_operands = 6 : i64, tpu.core_type = #tpu.core_type<sc_vector_subcore>, window_params = [{transform_indices = #map}, {transform_indices = #map1}, {transform_indices = #map}]} {
    %mul3A = arith.constant 16 : i32
    %mul3A_0 = arith.muli %arg0, %mul3A : i32
    %add3A = arith.addi %mul3A_0, %arg1 : i32
    "tpu.region"() ({
      %run_scoped3A = tpu.sem_alloc : memref<!tpu.dma_semaphore, #tpu.memory_space<semaphore_mem>>
      %dma_start3A_38 = arith.constant 0 : i32
      %dma_start3A_39 = arith.constant 0 : i32
      %dma_start3A_40 = tpu.memref_slice %arg2[%add3A, %dma_start3A_38, %dma_start3A_39] : memref<32x4x10240xf32, #tpu.memory_space<hbm>> -> memref<1x4x10240xf32, #tpu.memory_space<hbm>>
      %dma_start3A_41 = tpu.memref_squeeze %dma_start3A_40 : memref<1x4x10240xf32, #tpu.memory_space<hbm>> -> memref<4x10240xf32, #tpu.memory_space<hbm>>
      %dma_start3A_42 = arith.constant 0 : i32
      %dma_start3A_43 = arith.constant 0 : i32
      %dma_start3A_44 = tpu.memref_slice %arg2[%add3A, %dma_start3A_42, %dma_start3A_43] : memref<32x4x10240xf32, #tpu.memory_space<hbm>> -> memref<1x4x10240xf32, #tpu.memory_space<hbm>>
      %dma_start3A_45 = tpu.memref_squeeze %dma_start3A_44 : memref<1x4x10240xf32, #tpu.memory_space<hbm>> -> memref<4x10240xf32, #tpu.memory_space<hbm>>
      tpu.enqueue_dma source(%dma_start3A_45 : memref<4x10240xf32, #tpu.memory_space<hbm>>) target(%arg5 : memref<4x10240xf32, #tpu.memory_space<vmem>>) target_semaphore(%run_scoped3A : memref<!tpu.dma_semaphore, #tpu.memory_space<semaphore_mem>>)
      %dma_wait3A_46 = arith.constant 0 : i32
      %dma_wait3A_47 = arith.constant 0 : i32
      %dma_wait3A_48 = tpu.memref_slice %arg2[%add3A, %dma_wait3A_46, %dma_wait3A_47] : memref<32x4x10240xf32, #tpu.memory_space<hbm>> -> memref<1x4x10240xf32, #tpu.memory_space<hbm>>
      %dma_wait3A_49 = tpu.memref_squeeze %dma_wait3A_48 : memref<1x4x10240xf32, #tpu.memory_space<hbm>> -> memref<4x10240xf32, #tpu.memory_space<hbm>>
      %dma_wait3A_50 = arith.constant 0 : i32
      %dma_wait3A_51 = arith.constant 0 : i32
      %dma_wait3A_52 = tpu.memref_slice %arg2[%add3A, %dma_wait3A_50, %dma_wait3A_51] : memref<32x4x10240xf32, #tpu.memory_space<hbm>> -> memref<1x4x10240xf32, #tpu.memory_space<hbm>>
      %dma_wait3A_53 = tpu.memref_squeeze %dma_wait3A_52 : memref<1x4x10240xf32, #tpu.memory_space<hbm>> -> memref<4x10240xf32, #tpu.memory_space<hbm>>
      tpu.wait_dma2 semaphore(%run_scoped3A : memref<!tpu.dma_semaphore, #tpu.memory_space<semaphore_mem>>) src(%dma_wait3A_53 : memref<4x10240xf32, #tpu.memory_space<hbm>>) dst(%arg5 : memref<4x10240xf32, #tpu.memory_space<vmem>>)
      tpu.yield
    }) : () -> ()
    %broadcast_in_dim3A = arith.constant 0.000000e+00 : f32
    %broadcast_in_dim3A_1 = vector.broadcast %broadcast_in_dim3A : f32 to vector<16xf32>
    %parallel_loop3A = arith.constant 0 : i32
    %parallel_loop3A_2 = arith.constant 640 : i32
    %parallel_loop3A_3 = arith.constant 1 : i32
    scf.for %parallel_loop3A_38 = %parallel_loop3A to %parallel_loop3A_2 step %parallel_loop3A_3  : i32 {
      %parallel_loop3A_39 = arith.constant 16 : i32
      %parallel_loop3A_40 = arith.muli %parallel_loop3A_38, %parallel_loop3A_39 : i32
      %parallel_loop3A_41 = arith.constant 0 : i32
      %parallel_loop3A_42 = arith.index_cast %parallel_loop3A_41 : i32 to index
      %parallel_loop3A_43 = arith.index_cast %parallel_loop3A_40 : i32 to index
      %parallel_loop3A_44 = tpu.vector_load %arg6[%parallel_loop3A_42, %parallel_loop3A_43] {strides = array<i32>} : memref<5x10240xf32, #tpu.memory_space<vmem>>, vector<16xf32>,
      tpu.vector_store %arg6[%parallel_loop3A_42, %parallel_loop3A_43], %broadcast_in_dim3A_1 {strides = array<i32>} : memref<5x10240xf32, #tpu.memory_space<vmem>>, vector<16xf32>,
      %parallel_loop3A_45 = arith.constant 16 : i32
      %parallel_loop3A_46 = arith.muli %parallel_loop3A_38, %parallel_loop3A_45 : i32
      %parallel_loop3A_47 = arith.constant 1 : i32
      %parallel_loop3A_48 = arith.index_cast %parallel_loop3A_47 : i32 to index
      %parallel_loop3A_49 = arith.index_cast %parallel_loop3A_46 : i32 to index
      %parallel_loop3A_50 = tpu.vector_load %arg6[%parallel_loop3A_48, %parallel_loop3A_49] {strides = array<i32>} : memref<5x10240xf32, #tpu.memory_space<vmem>>, vector<16xf32>,
      tpu.vector_store %arg6[%parallel_loop3A_48, %parallel_loop3A_49], %broadcast_in_dim3A_1 {strides = array<i32>} : memref<5x10240xf32, #tpu.memory_space<vmem>>, vector<16xf32>,
      %parallel_loop3A_51 = arith.constant 16 : i32
      %parallel_loop3A_52 = arith.muli %parallel_loop3A_38, %parallel_loop3A_51 : i32
      %parallel_loop3A_53 = arith.constant 2 : i32
      %parallel_loop3A_54 = arith.index_cast %parallel_loop3A_53 : i32 to index
      %parallel_loop3A_55 = arith.index_cast %parallel_loop3A_52 : i32 to index
      %parallel_loop3A_56 = tpu.vector_load %arg6[%parallel_loop3A_54, %parallel_loop3A_55] {strides = array<i32>} : memref<5x10240xf32, #tpu.memory_space<vmem>>, vector<16xf32>,
      tpu.vector_store %arg6[%parallel_loop3A_54, %parallel_loop3A_55], %broadcast_in_dim3A_1 {strides = array<i32>} : memref<5x10240xf32, #tpu.memory_space<vmem>>, vector<16xf32>,
      %parallel_loop3A_57 = arith.constant 16 : i32
      %parallel_loop3A_58 = arith.muli %parallel_loop3A_38, %parallel_loop3A_57 : i32
      %parallel_loop3A_59 = arith.constant 3 : i32
      %parallel_loop3A_60 = arith.index_cast %parallel_loop3A_59 : i32 to index
      %parallel_loop3A_61 = arith.index_cast %parallel_loop3A_58 : i32 to index
      %parallel_loop3A_62 = tpu.vector_load %arg6[%parallel_loop3A_60, %parallel_loop3A_61] {strides = array<i32>} : memref<5x10240xf32, #tpu.memory_space<vmem>>, vector<16xf32>,
      tpu.vector_store %arg6[%parallel_loop3A_60, %parallel_loop3A_61], %broadcast_in_dim3A_1 {strides = array<i32>} : memref<5x10240xf32, #tpu.memory_space<vmem>>, vector<16xf32>,
      %parallel_loop3A_63 = arith.constant 16 : i32
      %parallel_loop3A_64 = arith.muli %parallel_loop3A_38, %parallel_loop3A_63 : i32
      %parallel_loop3A_65 = arith.constant 4 : i32
      %parallel_loop3A_66 = arith.index_cast %parallel_loop3A_65 : i32 to index
      %parallel_loop3A_67 = arith.index_cast %parallel_loop3A_64 : i32 to index
      %parallel_loop3A_68 = tpu.vector_load %arg6[%parallel_loop3A_66, %parallel_loop3A_67] {strides = array<i32>} : memref<5x10240xf32, #tpu.memory_space<vmem>>, vector<16xf32>,
      tpu.vector_store %arg6[%parallel_loop3A_66, %parallel_loop3A_67], %broadcast_in_dim3A_1 {strides = array<i32>} : memref<5x10240xf32, #tpu.memory_space<vmem>>, vector<16xf32>,
    } {sc.loop_unroll_factor = 4 : i64, sc.parallel_access}
    %broadcast_in_dim3A_4 = arith.constant 1.000000e+00 : f32
    %broadcast_in_dim3A_5 = vector.broadcast %broadcast_in_dim3A_4 : f32 to vector<16xf32>
    %broadcast_in_dim3A_6 = arith.constant 4 : i32
    %broadcast_in_dim3A_7 = vector.broadcast %broadcast_in_dim3A_6 : i32 to vector<16xi32>
    %add3A_8 = arith.constant 0 : i32
    %add3A_9 = arith.addi %add3A_8, %add3A : i32
    %jit3A = arith.constant 250 : i32
    %eq3A = arith.constant 0 : i32
    %eq3A_10 = arith.cmpi eq, %jit3A, %eq3A : i32
    %jit3A_11 = arith.constant 1 : i32
    %select_n3A = arith.select %eq3A_10, %jit3A_11, %jit3A : i32
    %rem3A = arith.remsi %add3A_9, %select_n3A : i32
    %ne3A = arith.constant 0 : i32
    %ne3A_12 = arith.cmpi ne, %rem3A, %ne3A : i32
    %lt3A = arith.constant 0 : i32
    %lt3A_13 = arith.cmpi slt, %rem3A, %lt3A : i32
    %lt3A_14 = arith.constant 0 : i32
    %lt3A_15 = arith.cmpi slt, %select_n3A, %lt3A_14 : i32
    %ne3A_16 = arith.xori %lt3A_13, %lt3A_15 : i1
    %and3A = arith.andi %ne3A_16, %ne3A_12 : i1
    %add3A_17 = arith.addi %rem3A, %select_n3A : i32
    %select_n3A_18 = arith.select %and3A, %add3A_17, %rem3A : i32
    %mul3A_19 = arith.constant 3 : i32
    %mul3A_20 = arith.muli %select_n3A_18, %mul3A_19 : i32
    %mul3A_21 = arith.constant 1280 : i32
    %mul3A_22 = arith.muli %mul3A_20, %mul3A_21 : i32
    %dma_start3A = tpu.memref_slice %arg3[%mul3A_22] : memref<960000xi32, #tpu.memory_space<hbm>> -> memref<3840xi32, #tpu.memory_space<hbm>>
    %dma_start3A_23 = tpu.memref_slice %arg3[%mul3A_22] : memref<960000xi32, #tpu.memory_space<hbm>> -> memref<3840xi32, #tpu.memory_space<hbm>>
    tpu.enqueue_dma source(%dma_start3A_23 : memref<3840xi32, #tpu.memory_space<hbm>>) target(%arg7 : memref<3840xi32, #tpu.memory_space<vmem>>) target_semaphore(%arg9 : memref<!tpu.dma_semaphore, #tpu.memory_space<semaphore_mem>>)
    %scan3A = arith.constant 0 : i32
    %scan3A_24 = arith.constant 0 : i32
    %scan3A_25 = arith.constant 125 : i32
    %scan3A_26 = arith.addi %scan3A_24, %scan3A_25 : i32
    %scan3A_27 = arith.constant 1 : i32
    scf.for %scan3A_38 = %scan3A_24 to %scan3A_26 step %scan3A_27  : i32 {
      %mul3A_39 = arith.constant 2 : i32
      %mul3A_40 = arith.muli %mul3A_39, %scan3A_38 : i32
      %dma_wait3A_41 = arith.constant 0 : i32
      %dma_wait3A_42 = tpu.memref_slice %arg3[%dma_wait3A_41] : memref<960000xi32, #tpu.memory_space<hbm>> -> memref<3840xi32, #tpu.memory_space<hbm>>
      %dma_wait3A_43 = arith.constant 0 : i32
      %dma_wait3A_44 = tpu.memref_slice %arg3[%dma_wait3A_43] : memref<960000xi32, #tpu.memory_space<hbm>> -> memref<3840xi32, #tpu.memory_space<hbm>>
      tpu.wait_dma2 semaphore(%arg9 : memref<!tpu.dma_semaphore, #tpu.memory_space<semaphore_mem>>) src(%dma_wait3A_44 : memref<3840xi32, #tpu.memory_space<hbm>>) dst(%arg7 : memref<3840xi32, #tpu.memory_space<vmem>>)
      %add3A_45 = arith.constant 1 : i32
      %add3A_46 = arith.addi %mul3A_40, %add3A_45 : i32
      %add3A_47 = arith.addi %add3A_46, %add3A : i32
      %jit3A_48 = arith.constant 250 : i32
      %eq3A_49 = arith.constant 0 : i32
      %eq3A_50 = arith.cmpi eq, %jit3A_48, %eq3A_49 : i32
      %jit3A_51 = arith.constant 1 : i32
      %select_n3A_52 = arith.select %eq3A_50, %jit3A_51, %jit3A_48 : i32
      %rem3A_53 = arith.remsi %add3A_47, %select_n3A_52 : i32
      %ne3A_54 = arith.constant 0 : i32
      %ne3A_55 = arith.cmpi ne, %rem3A_53, %ne3A_54 : i32
      %lt3A_56 = arith.constant 0 : i32
      %lt3A_57 = arith.cmpi slt, %rem3A_53, %lt3A_56 : i32
      %lt3A_58 = arith.constant 0 : i32
      %lt3A_59 = arith.cmpi slt, %select_n3A_52, %lt3A_58 : i32
      %ne3A_60 = arith.xori %lt3A_57, %lt3A_59 : i1
      %and3A_61 = arith.andi %ne3A_60, %ne3A_55 : i1
      %add3A_62 = arith.addi %rem3A_53, %select_n3A_52 : i32
      %select_n3A_63 = arith.select %and3A_61, %add3A_62, %rem3A_53 : i32
      %mul3A_64 = arith.constant 3 : i32
      %mul3A_65 = arith.muli %select_n3A_63, %mul3A_64 : i32
      %mul3A_66 = arith.constant 1280 : i32
      %mul3A_67 = arith.muli %mul3A_65, %mul3A_66 : i32
      %dma_start3A_68 = tpu.memref_slice %arg3[%mul3A_67] : memref<960000xi32, #tpu.memory_space<hbm>> -> memref<3840xi32, #tpu.memory_space<hbm>>
      %dma_start3A_69 = tpu.memref_slice %arg3[%mul3A_67] : memref<960000xi32, #tpu.memory_space<hbm>> -> memref<3840xi32, #tpu.memory_space<hbm>>
      tpu.enqueue_dma source(%dma_start3A_69 : memref<3840xi32, #tpu.memory_space<hbm>>) target(%arg8 : memref<3840xi32, #tpu.memory_space<vmem>>) target_semaphore(%arg10 : memref<!tpu.dma_semaphore, #tpu.memory_space<semaphore_mem>>)
      %parallel_loop3A_70 = arith.constant 0 : i32
      %parallel_loop3A_71 = arith.constant 80 : i32
      %parallel_loop3A_72 = arith.constant 1 : i32
      scf.for %parallel_loop3A_121 = %parallel_loop3A_70 to %parallel_loop3A_71 step %parallel_loop3A_72  : i32 {
        %parallel_loop3A_122 = arith.constant 16 : i32
        %parallel_loop3A_123 = arith.muli %parallel_loop3A_121, %parallel_loop3A_122 : i32
        %parallel_loop3A_124 = arith.index_cast %parallel_loop3A_123 : i32 to index
        %parallel_loop3A_125 = tpu.vector_load %arg7[%parallel_loop3A_124] {strides = array<i32>} : memref<3840xi32, #tpu.memory_space<vmem>>, vector<16xi32>,
        %parallel_loop3A_126 = arith.constant 16 : i32
        %parallel_loop3A_127 = arith.muli %parallel_loop3A_121, %parallel_loop3A_126 : i32
        %parallel_loop3A_128 = arith.constant 1280 : i32
        %parallel_loop3A_129 = arith.addi %parallel_loop3A_128, %parallel_loop3A_127 : i32
        %parallel_loop3A_130 = arith.index_cast %parallel_loop3A_129 : i32 to index
        %parallel_loop3A_131 = tpu.vector_load %arg7[%parallel_loop3A_130] {strides = array<i32>} : memref<3840xi32, #tpu.memory_space<vmem>>, vector<16xi32>,
        %parallel_loop3A_132 = arith.constant 16 : i32
        %parallel_loop3A_133 = arith.muli %parallel_loop3A_121, %parallel_loop3A_132 : i32
        %parallel_loop3A_134 = arith.constant 2560 : i32
        %parallel_loop3A_135 = arith.addi %parallel_loop3A_134, %parallel_loop3A_133 : i32
        %parallel_loop3A_136 = arith.index_cast %parallel_loop3A_135 : i32 to index
        %parallel_loop3A_137 = tpu.vector_load %arg7[%parallel_loop3A_136] {strides = array<i32>} : memref<3840xi32, #tpu.memory_space<vmem>>, vector<16xi32>,
        %parallel_loop3A_138 = vector.bitcast %parallel_loop3A_137 : vector<16xi32> to vector<16xf32>
        %parallel_loop3A_139 = arith.constant 0 : i32
        %parallel_loop3A_140 = vector.broadcast %parallel_loop3A_139 : i32 to vector<16xi32>
        %parallel_loop3A_141 = tpu.vector_load_idx %arg5[%parallel_loop3A_140, %parallel_loop3A_131] : memref<4x10240xf32, #tpu.memory_space<vmem>>[vector<16xi32>, vector<16xi32>], vector<16xf32>,
        %parallel_loop3A_142 = arith.mulf %parallel_loop3A_141, %parallel_loop3A_138 : vector<16xf32>
        %parallel_loop3A_143 = arith.constant 1 : i32
        %parallel_loop3A_144 = vector.broadcast %parallel_loop3A_143 : i32 to vector<16xi32>
        %parallel_loop3A_145 = tpu.vector_load_idx %arg5[%parallel_loop3A_144, %parallel_loop3A_131] : memref<4x10240xf32, #tpu.memory_space<vmem>>[vector<16xi32>, vector<16xi32>], vector<16xf32>,
        %parallel_loop3A_146 = arith.mulf %parallel_loop3A_145, %parallel_loop3A_138 : vector<16xf32>
        %parallel_loop3A_147 = arith.constant 2 : i32
        %parallel_loop3A_148 = vector.broadcast %parallel_loop3A_147 : i32 to vector<16xi32>
        %parallel_loop3A_149 = tpu.vector_load_idx %arg5[%parallel_loop3A_148, %parallel_loop3A_131] : memref<4x10240xf32, #tpu.memory_space<vmem>>[vector<16xi32>, vector<16xi32>], vector<16xf32>,
        %parallel_loop3A_150 = arith.mulf %parallel_loop3A_149, %parallel_loop3A_138 : vector<16xf32>
        %parallel_loop3A_151 = arith.constant 3 : i32
        %parallel_loop3A_152 = vector.broadcast %parallel_loop3A_151 : i32 to vector<16xi32>
        %parallel_loop3A_153 = tpu.vector_load_idx %arg5[%parallel_loop3A_152, %parallel_loop3A_131] : memref<4x10240xf32, #tpu.memory_space<vmem>>[vector<16xi32>, vector<16xi32>], vector<16xf32>,
        %parallel_loop3A_154 = arith.mulf %parallel_loop3A_153, %parallel_loop3A_138 : vector<16xf32>
        %parallel_loop3A_155 = arith.constant 0 : i32
        %parallel_loop3A_156 = vector.broadcast %parallel_loop3A_155 : i32 to vector<16xi32>
        tpu.vector_store_idx %arg6[%parallel_loop3A_156, %parallel_loop3A_125], %parallel_loop3A_142 {add = true} : memref<5x10240xf32, #tpu.memory_space<vmem>>[vector<16xi32>, vector<16xi32>], vector<16xf32>,
        %parallel_loop3A_157 = arith.constant 1 : i32
        %parallel_loop3A_158 = vector.broadcast %parallel_loop3A_157 : i32 to vector<16xi32>
        tpu.vector_store_idx %arg6[%parallel_loop3A_158, %parallel_loop3A_125], %parallel_loop3A_146 {add = true} : memref<5x10240xf32, #tpu.memory_space<vmem>>[vector<16xi32>, vector<16xi32>], vector<16xf32>,
        %parallel_loop3A_159 = arith.constant 2 : i32
        %parallel_loop3A_160 = vector.broadcast %parallel_loop3A_159 : i32 to vector<16xi32>
        tpu.vector_store_idx %arg6[%parallel_loop3A_160, %parallel_loop3A_125], %parallel_loop3A_150 {add = true} : memref<5x10240xf32, #tpu.memory_space<vmem>>[vector<16xi32>, vector<16xi32>], vector<16xf32>,
        %parallel_loop3A_161 = arith.constant 3 : i32
        %parallel_loop3A_162 = vector.broadcast %parallel_loop3A_161 : i32 to vector<16xi32>
        tpu.vector_store_idx %arg6[%parallel_loop3A_162, %parallel_loop3A_125], %parallel_loop3A_154 {add = true} : memref<5x10240xf32, #tpu.memory_space<vmem>>[vector<16xi32>, vector<16xi32>], vector<16xf32>,
      } {sc.loop_unroll_factor = 16 : i64, sc.parallel_access}
      %dma_wait3A_73 = arith.constant 0 : i32
      %dma_wait3A_74 = tpu.memref_slice %arg3[%dma_wait3A_73] : memref<960000xi32, #tpu.memory_space<hbm>> -> memref<3840xi32, #tpu.memory_space<hbm>>
      %dma_wait3A_75 = arith.constant 0 : i32
      %dma_wait3A_76 = tpu.memref_slice %arg3[%dma_wait3A_75] : memref<960000xi32, #tpu.memory_space<hbm>> -> memref<3840xi32, #tpu.memory_space<hbm>>
      tpu.wait_dma2 semaphore(%arg10 : memref<!tpu.dma_semaphore, #tpu.memory_space<semaphore_mem>>) src(%dma_wait3A_76 : memref<3840xi32, #tpu.memory_space<hbm>>) dst(%arg8 : memref<3840xi32, #tpu.memory_space<vmem>>)
      %add3A_77 = arith.constant 2 : i32
      %add3A_78 = arith.addi %mul3A_40, %add3A_77 : i32
      %jit3A_79 = arith.constant 250 : i32
      %eq3A_80 = arith.constant 0 : i32
      %eq3A_81 = arith.cmpi eq, %jit3A_79, %eq3A_80 : i32
      %jit3A_82 = arith.constant 1 : i32
      %select_n3A_83 = arith.select %eq3A_81, %jit3A_82, %jit3A_79 : i32
      %rem3A_84 = arith.remsi %add3A_78, %select_n3A_83 : i32
      %ne3A_85 = arith.constant 0 : i32
      %ne3A_86 = arith.cmpi ne, %rem3A_84, %ne3A_85 : i32
      %lt3A_87 = arith.constant 0 : i32
      %lt3A_88 = arith.cmpi slt, %rem3A_84, %lt3A_87 : i32
      %lt3A_89 = arith.constant 0 : i32
      %lt3A_90 = arith.cmpi slt, %select_n3A_83, %lt3A_89 : i32
      %ne3A_91 = arith.xori %lt3A_88, %lt3A_90 : i1
      %and3A_92 = arith.andi %ne3A_91, %ne3A_86 : i1
      %add3A_93 = arith.addi %rem3A_84, %select_n3A_83 : i32
      %select_n3A_94 = arith.select %and3A_92, %add3A_93, %rem3A_84 : i32
      %add3A_95 = arith.addi %select_n3A_94, %add3A : i32
      %jit3A_96 = arith.constant 250 : i32
      %eq3A_97 = arith.constant 0 : i32
      %eq3A_98 = arith.cmpi eq, %jit3A_96, %eq3A_97 : i32
      %jit3A_99 = arith.constant 1 : i32
      %select_n3A_100 = arith.select %eq3A_98, %jit3A_99, %jit3A_96 : i32
      %rem3A_101 = arith.remsi %add3A_95, %select_n3A_100 : i32
      %ne3A_102 = arith.constant 0 : i32
      %ne3A_103 = arith.cmpi ne, %rem3A_101, %ne3A_102 : i32
      %lt3A_104 = arith.constant 0 : i32
      %lt3A_105 = arith.cmpi slt, %rem3A_101, %lt3A_104 : i32
      %lt3A_106 = arith.constant 0 : i32
      %lt3A_107 = arith.cmpi slt, %select_n3A_100, %lt3A_106 : i32
      %ne3A_108 = arith.xori %lt3A_105, %lt3A_107 : i1
      %and3A_109 = arith.andi %ne3A_108, %ne3A_103 : i1
      %add3A_110 = arith.addi %rem3A_101, %select_n3A_100 : i32
      %select_n3A_111 = arith.select %and3A_109, %add3A_110, %rem3A_101 : i32
      %mul3A_112 = arith.constant 3 : i32
      %mul3A_113 = arith.muli %select_n3A_111, %mul3A_112 : i32
      %mul3A_114 = arith.constant 1280 : i32
      %mul3A_115 = arith.muli %mul3A_113, %mul3A_114 : i32
      %dma_start3A_116 = tpu.memref_slice %arg3[%mul3A_115] : memref<960000xi32, #tpu.memory_space<hbm>> -> memref<3840xi32, #tpu.memory_space<hbm>>
      %dma_start3A_117 = tpu.memref_slice %arg3[%mul3A_115] : memref<960000xi32, #tpu.memory_space<hbm>> -> memref<3840xi32, #tpu.memory_space<hbm>>
      tpu.enqueue_dma source(%dma_start3A_117 : memref<3840xi32, #tpu.memory_space<hbm>>) target(%arg7 : memref<3840xi32, #tpu.memory_space<vmem>>) target_semaphore(%arg9 : memref<!tpu.dma_semaphore, #tpu.memory_space<semaphore_mem>>)
      %parallel_loop3A_118 = arith.constant 0 : i32
      %parallel_loop3A_119 = arith.constant 80 : i32
      %parallel_loop3A_120 = arith.constant 1 : i32
      scf.for %parallel_loop3A_121 = %parallel_loop3A_118 to %parallel_loop3A_119 step %parallel_loop3A_120  : i32 {
        %parallel_loop3A_122 = arith.constant 16 : i32
        %parallel_loop3A_123 = arith.muli %parallel_loop3A_121, %parallel_loop3A_122 : i32
        %parallel_loop3A_124 = arith.index_cast %parallel_loop3A_123 : i32 to index
        %parallel_loop3A_125 = tpu.vector_load %arg8[%parallel_loop3A_124] {strides = array<i32>} : memref<3840xi32, #tpu.memory_space<vmem>>, vector<16xi32>,
        %parallel_loop3A_126 = arith.constant 16 : i32
        %parallel_loop3A_127 = arith.muli %parallel_loop3A_121, %parallel_loop3A_126 : i32
        %parallel_loop3A_128 = arith.constant 1280 : i32
        %parallel_loop3A_129 = arith.addi %parallel_loop3A_128, %parallel_loop3A_127 : i32
        %parallel_loop3A_130 = arith.index_cast %parallel_loop3A_129 : i32 to index
        %parallel_loop3A_131 = tpu.vector_load %arg8[%parallel_loop3A_130] {strides = array<i32>} : memref<3840xi32, #tpu.memory_space<vmem>>, vector<16xi32>,
        %parallel_loop3A_132 = arith.constant 16 : i32
        %parallel_loop3A_133 = arith.muli %parallel_loop3A_121, %parallel_loop3A_132 : i32
        %parallel_loop3A_134 = arith.constant 2560 : i32
        %parallel_loop3A_135 = arith.addi %parallel_loop3A_134, %parallel_loop3A_133 : i32
        %parallel_loop3A_136 = arith.index_cast %parallel_loop3A_135 : i32 to index
        %parallel_loop3A_137 = tpu.vector_load %arg8[%parallel_loop3A_136] {strides = array<i32>} : memref<3840xi32, #tpu.memory_space<vmem>>, vector<16xi32>,
        %parallel_loop3A_138 = vector.bitcast %parallel_loop3A_137 : vector<16xi32> to vector<16xf32>
        %parallel_loop3A_139 = arith.constant 0 : i32
        %parallel_loop3A_140 = vector.broadcast %parallel_loop3A_139 : i32 to vector<16xi32>
        %parallel_loop3A_141 = tpu.vector_load_idx %arg5[%parallel_loop3A_140, %parallel_loop3A_131] : memref<4x10240xf32, #tpu.memory_space<vmem>>[vector<16xi32>, vector<16xi32>], vector<16xf32>,
        %parallel_loop3A_142 = arith.mulf %parallel_loop3A_141, %parallel_loop3A_138 : vector<16xf32>
        %parallel_loop3A_143 = arith.constant 1 : i32
        %parallel_loop3A_144 = vector.broadcast %parallel_loop3A_143 : i32 to vector<16xi32>
        %parallel_loop3A_145 = tpu.vector_load_idx %arg5[%parallel_loop3A_144, %parallel_loop3A_131] : memref<4x10240xf32, #tpu.memory_space<vmem>>[vector<16xi32>, vector<16xi32>], vector<16xf32>,
        %parallel_loop3A_146 = arith.mulf %parallel_loop3A_145, %parallel_loop3A_138 : vector<16xf32>
        %parallel_loop3A_147 = arith.constant 2 : i32
        %parallel_loop3A_148 = vector.broadcast %parallel_loop3A_147 : i32 to vector<16xi32>
        %parallel_loop3A_149 = tpu.vector_load_idx %arg5[%parallel_loop3A_148, %parallel_loop3A_131] : memref<4x10240xf32, #tpu.memory_space<vmem>>[vector<16xi32>, vector<16xi32>], vector<16xf32>,
        %parallel_loop3A_150 = arith.mulf %parallel_loop3A_149, %parallel_loop3A_138 : vector<16xf32>
        %parallel_loop3A_151 = arith.constant 3 : i32
        %parallel_loop3A_152 = vector.broadcast %parallel_loop3A_151 : i32 to vector<16xi32>
        %parallel_loop3A_153 = tpu.vector_load_idx %arg5[%parallel_loop3A_152, %parallel_loop3A_131] : memref<4x10240xf32, #tpu.memory_space<vmem>>[vector<16xi32>, vector<16xi32>], vector<16xf32>,
        %parallel_loop3A_154 = arith.mulf %parallel_loop3A_153, %parallel_loop3A_138 : vector<16xf32>
        %parallel_loop3A_155 = arith.constant 0 : i32
        %parallel_loop3A_156 = vector.broadcast %parallel_loop3A_155 : i32 to vector<16xi32>
        tpu.vector_store_idx %arg6[%parallel_loop3A_156, %parallel_loop3A_125], %parallel_loop3A_142 {add = true} : memref<5x10240xf32, #tpu.memory_space<vmem>>[vector<16xi32>, vector<16xi32>], vector<16xf32>,
        %parallel_loop3A_157 = arith.constant 1 : i32
        %parallel_loop3A_158 = vector.broadcast %parallel_loop3A_157 : i32 to vector<16xi32>
        tpu.vector_store_idx %arg6[%parallel_loop3A_158, %parallel_loop3A_125], %parallel_loop3A_146 {add = true} : memref<5x10240xf32, #tpu.memory_space<vmem>>[vector<16xi32>, vector<16xi32>], vector<16xf32>,
        %parallel_loop3A_159 = arith.constant 2 : i32
        %parallel_loop3A_160 = vector.broadcast %parallel_loop3A_159 : i32 to vector<16xi32>
        tpu.vector_store_idx %arg6[%parallel_loop3A_160, %parallel_loop3A_125], %parallel_loop3A_150 {add = true} : memref<5x10240xf32, #tpu.memory_space<vmem>>[vector<16xi32>, vector<16xi32>], vector<16xf32>,
        %parallel_loop3A_161 = arith.constant 3 : i32
        %parallel_loop3A_162 = vector.broadcast %parallel_loop3A_161 : i32 to vector<16xi32>
        tpu.vector_store_idx %arg6[%parallel_loop3A_162, %parallel_loop3A_125], %parallel_loop3A_154 {add = true} : memref<5x10240xf32, #tpu.memory_space<vmem>>[vector<16xi32>, vector<16xi32>], vector<16xf32>,
      } {sc.loop_unroll_factor = 16 : i64, sc.parallel_access}
    }
    %scan3A_28 = arith.constant 125 : i32
    %dma_wait3A = arith.constant 0 : i32
    %dma_wait3A_29 = tpu.memref_slice %arg3[%dma_wait3A] : memref<960000xi32, #tpu.memory_space<hbm>> -> memref<3840xi32, #tpu.memory_space<hbm>>
    %dma_wait3A_30 = arith.constant 0 : i32
    %dma_wait3A_31 = tpu.memref_slice %arg3[%dma_wait3A_30] : memref<960000xi32, #tpu.memory_space<hbm>> -> memref<3840xi32, #tpu.memory_space<hbm>>
    tpu.wait_dma2 semaphore(%arg9 : memref<!tpu.dma_semaphore, #tpu.memory_space<semaphore_mem>>) src(%dma_wait3A_31 : memref<3840xi32, #tpu.memory_space<hbm>>) dst(%arg7 : memref<3840xi32, #tpu.memory_space<vmem>>)
    %scan3A_32 = arith.constant 0 : i32
    %scan3A_33 = arith.constant 0 : i32
    %scan3A_34 = arith.constant 8 : i32
    %scan3A_35 = arith.addi %scan3A_33, %scan3A_34 : i32
    %scan3A_36 = arith.constant 1 : i32
    scf.for %scan3A_38 = %scan3A_33 to %scan3A_35 step %scan3A_36  : i32 {
      %mul3A_39 = arith.constant 32 : i32
      %mul3A_40 = arith.muli %scan3A_38, %mul3A_39 : i32
      %add3A_41 = arith.addi %add3A, %mul3A_40 : i32
      %lt3A_42 = arith.constant 250 : i32
      %lt3A_43 = arith.cmpi slt, %add3A_41, %lt3A_42 : i32
      %convert_element_type3A = arith.extui %lt3A_43 : i1 to i32
      %cond3A = arith.constant 0 : i32
      %cond3A_44 = arith.cmpi ne, %convert_element_type3A, %cond3A : i32
      scf.if %cond3A_44 {
        %mul3A_45 = arith.constant 3 : i32
        %mul3A_46 = arith.muli %add3A_41, %mul3A_45 : i32
        %mul3A_47 = arith.constant 1280 : i32
        %mul3A_48 = arith.muli %mul3A_46, %mul3A_47 : i32
        "tpu.region"() ({
          %run_scoped3A = tpu.sem_alloc : memref<!tpu.dma_semaphore, #tpu.memory_space<semaphore_mem>>
          %dma_start3A_52 = tpu.memref_slice %arg3[%mul3A_48] : memref<960000xi32, #tpu.memory_space<hbm>> -> memref<3840xi32, #tpu.memory_space<hbm>>
          %dma_start3A_53 = tpu.memref_slice %arg3[%mul3A_48] : memref<960000xi32, #tpu.memory_space<hbm>> -> memref<3840xi32, #tpu.memory_space<hbm>>
          tpu.enqueue_dma source(%dma_start3A_53 : memref<3840xi32, #tpu.memory_space<hbm>>) target(%arg7 : memref<3840xi32, #tpu.memory_space<vmem>>) target_semaphore(%run_scoped3A : memref<!tpu.dma_semaphore, #tpu.memory_space<semaphore_mem>>)
          %dma_wait3A_54 = tpu.memref_slice %arg3[%mul3A_48] : memref<960000xi32, #tpu.memory_space<hbm>> -> memref<3840xi32, #tpu.memory_space<hbm>>
          %dma_wait3A_55 = tpu.memref_slice %arg3[%mul3A_48] : memref<960000xi32, #tpu.memory_space<hbm>> -> memref<3840xi32, #tpu.memory_space<hbm>>
          tpu.wait_dma2 semaphore(%run_scoped3A : memref<!tpu.dma_semaphore, #tpu.memory_space<semaphore_mem>>) src(%dma_wait3A_55 : memref<3840xi32, #tpu.memory_space<hbm>>) dst(%arg7 : memref<3840xi32, #tpu.memory_space<vmem>>)
          tpu.yield
        }) : () -> ()
        %parallel_loop3A_49 = arith.constant 0 : i32
        %parallel_loop3A_50 = arith.constant 80 : i32
        %parallel_loop3A_51 = arith.constant 1 : i32
        scf.for %parallel_loop3A_52 = %parallel_loop3A_49 to %parallel_loop3A_50 step %parallel_loop3A_51  : i32 {
          %parallel_loop3A_53 = arith.constant 16 : i32
          %parallel_loop3A_54 = arith.muli %parallel_loop3A_52, %parallel_loop3A_53 : i32
          %parallel_loop3A_55 = arith.index_cast %parallel_loop3A_54 : i32 to index
          %parallel_loop3A_56 = tpu.vector_load %arg7[%parallel_loop3A_55] {strides = array<i32>} : memref<3840xi32, #tpu.memory_space<vmem>>, vector<16xi32>,
          tpu.vector_store_idx %arg6[%broadcast_in_dim3A_7, %parallel_loop3A_56], %broadcast_in_dim3A_5 {add = true} : memref<5x10240xf32, #tpu.memory_space<vmem>>[vector<16xi32>, vector<16xi32>], vector<16xf32>,
        } {sc.loop_unroll_factor = 8 : i64, sc.parallel_access}
      } else {
      }
    }
    %scan3A_37 = arith.constant 8 : i32
    "tpu.region"() ({
      %run_scoped3A = tpu.sem_alloc : memref<!tpu.dma_semaphore, #tpu.memory_space<semaphore_mem>>
      %dma_start3A_38 = arith.constant 0 : i32
      %dma_start3A_39 = arith.constant 0 : i32
      %dma_start3A_40 = tpu.memref_slice %arg4[%add3A, %dma_start3A_38, %dma_start3A_39] : memref<32x5x10240xf32, #tpu.memory_space<hbm>> -> memref<1x5x10240xf32, #tpu.memory_space<hbm>>
      %dma_start3A_41 = tpu.memref_squeeze %dma_start3A_40 : memref<1x5x10240xf32, #tpu.memory_space<hbm>> -> memref<5x10240xf32, #tpu.memory_space<hbm>>
      %dma_start3A_42 = arith.constant 0 : i32
      %dma_start3A_43 = arith.constant 0 : i32
      %dma_start3A_44 = tpu.memref_slice %arg4[%add3A, %dma_start3A_42, %dma_start3A_43] : memref<32x5x10240xf32, #tpu.memory_space<hbm>> -> memref<1x5x10240xf32, #tpu.memory_space<hbm>>
      %dma_start3A_45 = tpu.memref_squeeze %dma_start3A_44 : memref<1x5x10240xf32, #tpu.memory_space<hbm>> -> memref<5x10240xf32, #tpu.memory_space<hbm>>
      tpu.enqueue_dma source(%arg6 : memref<5x10240xf32, #tpu.memory_space<vmem>>) target(%dma_start3A_45 : memref<5x10240xf32, #tpu.memory_space<hbm>>) target_semaphore(%run_scoped3A : memref<!tpu.dma_semaphore, #tpu.memory_space<semaphore_mem>>)
      %dma_wait3A_46 = arith.constant 0 : i32
      %dma_wait3A_47 = arith.constant 0 : i32
      %dma_wait3A_48 = tpu.memref_slice %arg4[%add3A, %dma_wait3A_46, %dma_wait3A_47] : memref<32x5x10240xf32, #tpu.memory_space<hbm>> -> memref<1x5x10240xf32, #tpu.memory_space<hbm>>
      %dma_wait3A_49 = tpu.memref_squeeze %dma_wait3A_48 : memref<1x5x10240xf32, #tpu.memory_space<hbm>> -> memref<5x10240xf32, #tpu.memory_space<hbm>>
      %dma_wait3A_50 = arith.constant 0 : i32
      %dma_wait3A_51 = arith.constant 0 : i32
      %dma_wait3A_52 = tpu.memref_slice %arg4[%add3A, %dma_wait3A_50, %dma_wait3A_51] : memref<32x5x10240xf32, #tpu.memory_space<hbm>> -> memref<1x5x10240xf32, #tpu.memory_space<hbm>>
      %dma_wait3A_53 = tpu.memref_squeeze %dma_wait3A_52 : memref<1x5x10240xf32, #tpu.memory_space<hbm>> -> memref<5x10240xf32, #tpu.memory_space<hbm>>
      tpu.wait_dma2 semaphore(%run_scoped3A : memref<!tpu.dma_semaphore, #tpu.memory_space<semaphore_mem>>) src(%arg6 : memref<5x10240xf32, #tpu.memory_space<vmem>>) dst(%dma_wait3A_53 : memref<5x10240xf32, #tpu.memory_space<hbm>>)
      tpu.yield
    }) : () -> ()
    return
  }
}

module attributes {stable_mosaic.version = 14 : i64} {
  func.func @_trans_body(%arg0: i32, %arg1: memref<1024x128xf32, #tpu.memory_space<vmem>>, %arg2: memref<128x128xf32, #tpu.memory_space<vmem>>, %arg3: memref<1x128xf32, #tpu.memory_space<vmem>>, %arg4: memref<1x128xf32, #tpu.memory_space<vmem>>, %arg5: memref<1x128xf32, #tpu.memory_space<vmem>>, %arg6: memref<128x128xf32, #tpu.memory_space<vmem>>, %arg7: memref<1x128xf32, #tpu.memory_space<vmem>>, %arg8: memref<1x128xf32, #tpu.memory_space<vmem>>, %arg9: memref<1x128xf32, #tpu.memory_space<vmem>>, %arg10: memref<1024x128xf32, #tpu.memory_space<vmem>>, %arg11: memref<1024x128xf32, #tpu.memory_space<vmem>>) attributes {dimension_semantics = [#tpu.dimension_semantics<arbitrary>], iteration_bounds = array<i64: 10>, scalar_prefetch = 0 : i64, scratch_operands = 0 : i64, tpu.core_type = #tpu.core_type<tc>, window_params = [{transform_indices = @transform_0, window_bounds = array<i64: 1024, 128>}, {pipeline_mode = #tpu.pipeline_mode<synchronous>, transform_indices = @transform_1, window_bounds = array<i64: 128, 128>}, {pipeline_mode = #tpu.pipeline_mode<synchronous>, transform_indices = @transform_2, window_bounds = array<i64: 1, 128>}, {pipeline_mode = #tpu.pipeline_mode<synchronous>, transform_indices = @transform_3, window_bounds = array<i64: 1, 128>}, {pipeline_mode = #tpu.pipeline_mode<synchronous>, transform_indices = @transform_4, window_bounds = array<i64: 1, 128>}, {pipeline_mode = #tpu.pipeline_mode<synchronous>, transform_indices = @transform_5, window_bounds = array<i64: 128, 128>}, {pipeline_mode = #tpu.pipeline_mode<synchronous>, transform_indices = @transform_6, window_bounds = array<i64: 1, 128>}, {pipeline_mode = #tpu.pipeline_mode<synchronous>, transform_indices = @transform_7, window_bounds = array<i64: 1, 128>}, {pipeline_mode = #tpu.pipeline_mode<synchronous>, transform_indices = @transform_8, window_bounds = array<i64: 1, 128>}, {transform_indices = @transform_9, window_bounds = array<i64: 1024, 128>}, {transform_indices = @transform_10, window_bounds = array<i64: 1024, 128>}]} {
    %get3A = arith.constant 0 : index
    %get3A_0 = arith.constant 0 : index
    %get3A_1 = vector.load %arg1[%get3A, %get3A_0] : memref<1024x128xf32, #tpu.memory_space<vmem>>, vector<1024x128xf32>
    %get3A_2 = arith.constant 0 : index
    %get3A_3 = arith.constant 0 : index
    %get3A_4 = vector.load %arg2[%get3A_2, %get3A_3] : memref<128x128xf32, #tpu.memory_space<vmem>>, vector<128x128xf32>
    %get3A_5 = arith.constant 0 : index
    %get3A_6 = arith.constant 0 : index
    %get3A_7 = vector.load %arg3[%get3A_5, %get3A_6] : memref<1x128xf32, #tpu.memory_space<vmem>>, vector<1x128xf32>
    %get3A_8 = arith.constant 0 : index
    %get3A_9 = arith.constant 0 : index
    %get3A_10 = vector.load %arg4[%get3A_8, %get3A_9] : memref<1x128xf32, #tpu.memory_space<vmem>>, vector<1x128xf32>
    %get3A_11 = arith.constant 0 : index
    %get3A_12 = arith.constant 0 : index
    %get3A_13 = vector.load %arg5[%get3A_11, %get3A_12] : memref<1x128xf32, #tpu.memory_space<vmem>>, vector<1x128xf32>
    %dot_general3A = arith.constant dense<0.000000e+00> : vector<1024x128xf32>
    %dot_general3A_14 = tpu.matmul %get3A_1, %get3A_4, %dot_general3A {dimension_numbers = #tpu.dot_dimension_numbers<[1], [0], [0], [1], [0, 0, 1, 1], [], []>, transpose_lhs_hint = false} : vector<1024x128xf32>, vector<128x128xf32>, vector<1024x128xf32> -> vector<1024x128xf32>
    %add3A = vector.broadcast %get3A_7 : vector<1x128xf32> to vector<1024x128xf32>
    %add3A_15 = arith.addf %dot_general3A_14, %add3A : vector<1024x128xf32>
    %reduce_sum3A = arith.constant dense<0.000000e+00> : vector<1024xf32>
    %reduce_sum3A_16 = vector.multi_reduction <add>, %add3A_15, %reduce_sum3A [1] : vector<1024x128xf32> to vector<1024xf32>
    %broadcast_in_dim3A = vector.shape_cast %reduce_sum3A_16 : vector<1024xf32> to vector<1024x1xf32>
    %div3A = arith.constant 1.280000e+02 : f32
    %div3A_17 = vector.broadcast %div3A : f32 to vector<1024x1xf32>
    %div3A_18 = arith.divf %broadcast_in_dim3A, %div3A_17 : vector<1024x1xf32>
    %sub3A = vector.broadcast %div3A_18 : vector<1024x1xf32> to vector<1024x128xf32>
    %sub3A_19 = arith.subf %add3A_15, %sub3A : vector<1024x128xf32>
    %sub3A_20 = vector.broadcast %div3A_18 : vector<1024x1xf32> to vector<1024x128xf32>
    %sub3A_21 = arith.subf %add3A_15, %sub3A_20 : vector<1024x128xf32>
    %mul3A = arith.mulf %sub3A_19, %sub3A_21 : vector<1024x128xf32>
    %reduce_sum3A_22 = arith.constant dense<0.000000e+00> : vector<1024xf32>
    %reduce_sum3A_23 = vector.multi_reduction <add>, %mul3A, %reduce_sum3A_22 [1] : vector<1024x128xf32> to vector<1024xf32>
    %broadcast_in_dim3A_24 = vector.shape_cast %reduce_sum3A_23 : vector<1024xf32> to vector<1024x1xf32>
    %div3A_25 = arith.constant 1.280000e+02 : f32
    %div3A_26 = vector.broadcast %div3A_25 : f32 to vector<1024x1xf32>
    %div3A_27 = arith.divf %broadcast_in_dim3A_24, %div3A_26 : vector<1024x1xf32>
    %sub3A_28 = vector.broadcast %div3A_18 : vector<1024x1xf32> to vector<1024x128xf32>
    %sub3A_29 = arith.subf %add3A_15, %sub3A_28 : vector<1024x128xf32>
    %add3A_30 = arith.constant 9.99999974E-6 : f32
    %add3A_31 = vector.broadcast %add3A_30 : f32 to vector<1024x1xf32>
    %add3A_32 = arith.addf %div3A_27, %add3A_31 : vector<1024x1xf32>
    %sqrt3A = math.sqrt %add3A_32 : vector<1024x1xf32>
    %div3A_33 = vector.broadcast %sqrt3A : vector<1024x1xf32> to vector<1024x128xf32>
    %div3A_34 = arith.divf %sub3A_29, %div3A_33 : vector<1024x128xf32>
    %mul3A_35 = vector.broadcast %get3A_10 : vector<1x128xf32> to vector<1024x128xf32>
    %mul3A_36 = arith.mulf %div3A_34, %mul3A_35 : vector<1024x128xf32>
    %add3A_37 = vector.broadcast %get3A_13 : vector<1x128xf32> to vector<1024x128xf32>
    %add3A_38 = arith.addf %mul3A_36, %add3A_37 : vector<1024x128xf32>
    %max3A = arith.constant 0.000000e+00 : f32
    %max3A_39 = vector.broadcast %max3A : f32 to vector<1024x128xf32>
    %max3A_40 = arith.maximumf %add3A_38, %max3A_39 : vector<1024x128xf32>
    %get3A_41 = arith.constant 0 : index
    %get3A_42 = arith.constant 0 : index
    %get3A_43 = vector.load %arg6[%get3A_41, %get3A_42] : memref<128x128xf32, #tpu.memory_space<vmem>>, vector<128x128xf32>
    %get3A_44 = arith.constant 0 : index
    %get3A_45 = arith.constant 0 : index
    %get3A_46 = vector.load %arg7[%get3A_44, %get3A_45] : memref<1x128xf32, #tpu.memory_space<vmem>>, vector<1x128xf32>
    %get3A_47 = arith.constant 0 : index
    %get3A_48 = arith.constant 0 : index
    %get3A_49 = vector.load %arg8[%get3A_47, %get3A_48] : memref<1x128xf32, #tpu.memory_space<vmem>>, vector<1x128xf32>
    %get3A_50 = arith.constant 0 : index
    %get3A_51 = arith.constant 0 : index
    %get3A_52 = vector.load %arg9[%get3A_50, %get3A_51] : memref<1x128xf32, #tpu.memory_space<vmem>>, vector<1x128xf32>
    %dot_general3A_53 = arith.constant dense<0.000000e+00> : vector<1024x128xf32>
    %dot_general3A_54 = tpu.matmul %get3A_1, %get3A_43, %dot_general3A_53 {dimension_numbers = #tpu.dot_dimension_numbers<[1], [0], [0], [1], [0, 0, 1, 1], [], []>, transpose_lhs_hint = false} : vector<1024x128xf32>, vector<128x128xf32>, vector<1024x128xf32> -> vector<1024x128xf32>
    %add3A_55 = vector.broadcast %get3A_46 : vector<1x128xf32> to vector<1024x128xf32>
    %add3A_56 = arith.addf %dot_general3A_54, %add3A_55 : vector<1024x128xf32>
    %reduce_sum3A_57 = arith.constant dense<0.000000e+00> : vector<1024xf32>
    %reduce_sum3A_58 = vector.multi_reduction <add>, %add3A_56, %reduce_sum3A_57 [1] : vector<1024x128xf32> to vector<1024xf32>
    %broadcast_in_dim3A_59 = vector.shape_cast %reduce_sum3A_58 : vector<1024xf32> to vector<1024x1xf32>
    %div3A_60 = arith.constant 1.280000e+02 : f32
    %div3A_61 = vector.broadcast %div3A_60 : f32 to vector<1024x1xf32>
    %div3A_62 = arith.divf %broadcast_in_dim3A_59, %div3A_61 : vector<1024x1xf32>
    %sub3A_63 = vector.broadcast %div3A_62 : vector<1024x1xf32> to vector<1024x128xf32>
    %sub3A_64 = arith.subf %add3A_56, %sub3A_63 : vector<1024x128xf32>
    %sub3A_65 = vector.broadcast %div3A_62 : vector<1024x1xf32> to vector<1024x128xf32>
    %sub3A_66 = arith.subf %add3A_56, %sub3A_65 : vector<1024x128xf32>
    %mul3A_67 = arith.mulf %sub3A_64, %sub3A_66 : vector<1024x128xf32>
    %reduce_sum3A_68 = arith.constant dense<0.000000e+00> : vector<1024xf32>
    %reduce_sum3A_69 = vector.multi_reduction <add>, %mul3A_67, %reduce_sum3A_68 [1] : vector<1024x128xf32> to vector<1024xf32>
    %broadcast_in_dim3A_70 = vector.shape_cast %reduce_sum3A_69 : vector<1024xf32> to vector<1024x1xf32>
    %div3A_71 = arith.constant 1.280000e+02 : f32
    %div3A_72 = vector.broadcast %div3A_71 : f32 to vector<1024x1xf32>
    %div3A_73 = arith.divf %broadcast_in_dim3A_70, %div3A_72 : vector<1024x1xf32>
    %sub3A_74 = vector.broadcast %div3A_62 : vector<1024x1xf32> to vector<1024x128xf32>
    %sub3A_75 = arith.subf %add3A_56, %sub3A_74 : vector<1024x128xf32>
    %add3A_76 = arith.constant 9.99999974E-6 : f32
    %add3A_77 = vector.broadcast %add3A_76 : f32 to vector<1024x1xf32>
    %add3A_78 = arith.addf %div3A_73, %add3A_77 : vector<1024x1xf32>
    %sqrt3A_79 = math.sqrt %add3A_78 : vector<1024x1xf32>
    %div3A_80 = vector.broadcast %sqrt3A_79 : vector<1024x1xf32> to vector<1024x128xf32>
    %div3A_81 = arith.divf %sub3A_75, %div3A_80 : vector<1024x128xf32>
    %mul3A_82 = vector.broadcast %get3A_49 : vector<1x128xf32> to vector<1024x128xf32>
    %mul3A_83 = arith.mulf %div3A_81, %mul3A_82 : vector<1024x128xf32>
    %add3A_84 = vector.broadcast %get3A_52 : vector<1x128xf32> to vector<1024x128xf32>
    %add3A_85 = arith.addf %mul3A_83, %add3A_84 : vector<1024x128xf32>
    %max3A_86 = arith.constant 0.000000e+00 : f32
    %max3A_87 = vector.broadcast %max3A_86 : f32 to vector<1024x128xf32>
    %max3A_88 = arith.maximumf %add3A_85, %max3A_87 : vector<1024x128xf32>
    %mul3A_89 = arith.constant 8.000000e-01 : f32
    %mul3A_90 = vector.broadcast %mul3A_89 : f32 to vector<1024x128xf32>
    %mul3A_91 = arith.mulf %mul3A_90, %max3A_40 : vector<1024x128xf32>
    %mul3A_92 = arith.constant 2.000000e-01 : f32
    %mul3A_93 = vector.broadcast %mul3A_92 : f32 to vector<1024x128xf32>
    %mul3A_94 = arith.mulf %mul3A_93, %max3A_88 : vector<1024x128xf32>
    %add3A_95 = arith.addf %mul3A_91, %mul3A_94 : vector<1024x128xf32>
    %swap3A = arith.constant 0 : index
    %swap3A_96 = arith.constant 0 : index
    %swap3A_97 = vector.load %arg10[%swap3A, %swap3A_96] : memref<1024x128xf32, #tpu.memory_space<vmem>>, vector<1024x128xf32>
    tpu.vector_store %arg10[%swap3A, %swap3A_96], %add3A_95 {strides = array<i32>} : memref<1024x128xf32, #tpu.memory_space<vmem>>, vector<1024x128xf32>,
    %mul3A_98 = arith.constant 8.000000e-01 : f32
    %mul3A_99 = vector.broadcast %mul3A_98 : f32 to vector<1024x128xf32>
    %mul3A_100 = arith.mulf %mul3A_99, %max3A_88 : vector<1024x128xf32>
    %mul3A_101 = arith.constant 2.000000e-01 : f32
    %mul3A_102 = vector.broadcast %mul3A_101 : f32 to vector<1024x128xf32>
    %mul3A_103 = arith.mulf %mul3A_102, %max3A_40 : vector<1024x128xf32>
    %add3A_104 = arith.addf %mul3A_100, %mul3A_103 : vector<1024x128xf32>
    %swap3A_105 = arith.constant 0 : index
    %swap3A_106 = arith.constant 0 : index
    %swap3A_107 = vector.load %arg11[%swap3A_105, %swap3A_106] : memref<1024x128xf32, #tpu.memory_space<vmem>>, vector<1024x128xf32>
    tpu.vector_store %arg11[%swap3A_105, %swap3A_106], %add3A_104 {strides = array<i32>} : memref<1024x128xf32, #tpu.memory_space<vmem>>, vector<1024x128xf32>,
    return
  }
  func.func @transform_0(%arg0: i32) -> (i32, i32) {
    %c0_i32 = arith.constant 0 : i32
    %c0_i32_0 = arith.constant 0 : i32
    return %arg0, %c0_i32 : i32, i32
  }
  func.func @transform_1(%arg0: i32) -> (i32, i32) {
    %c0_i32 = arith.constant 0 : i32
    %c0_i32_0 = arith.constant 0 : i32
    %c0_i32_1 = arith.constant 0 : i32
    return %c0_i32, %c0_i32_0 : i32, i32
  }
  func.func @transform_2(%arg0: i32) -> (i32, i32) {
    %c0_i32 = arith.constant 0 : i32
    %c0_i32_0 = arith.constant 0 : i32
    %c0_i32_1 = arith.constant 0 : i32
    return %c0_i32, %c0_i32_0 : i32, i32
  }
  func.func @transform_3(%arg0: i32) -> (i32, i32) {
    %c0_i32 = arith.constant 0 : i32
    %c0_i32_0 = arith.constant 0 : i32
    %c0_i32_1 = arith.constant 0 : i32
    return %c0_i32, %c0_i32_0 : i32, i32
  }
  func.func @transform_4(%arg0: i32) -> (i32, i32) {
    %c0_i32 = arith.constant 0 : i32
    %c0_i32_0 = arith.constant 0 : i32
    %c0_i32_1 = arith.constant 0 : i32
    return %c0_i32, %c0_i32_0 : i32, i32
  }
  func.func @transform_5(%arg0: i32) -> (i32, i32) {
    %c0_i32 = arith.constant 0 : i32
    %c0_i32_0 = arith.constant 0 : i32
    %c0_i32_1 = arith.constant 0 : i32
    return %c0_i32, %c0_i32_0 : i32, i32
  }
  func.func @transform_6(%arg0: i32) -> (i32, i32) {
    %c0_i32 = arith.constant 0 : i32
    %c0_i32_0 = arith.constant 0 : i32
    %c0_i32_1 = arith.constant 0 : i32
    return %c0_i32, %c0_i32_0 : i32, i32
  }
  func.func @transform_7(%arg0: i32) -> (i32, i32) {
    %c0_i32 = arith.constant 0 : i32
    %c0_i32_0 = arith.constant 0 : i32
    %c0_i32_1 = arith.constant 0 : i32
    return %c0_i32, %c0_i32_0 : i32, i32
  }
  func.func @transform_8(%arg0: i32) -> (i32, i32) {
    %c0_i32 = arith.constant 0 : i32
    %c0_i32_0 = arith.constant 0 : i32
    %c0_i32_1 = arith.constant 0 : i32
    return %c0_i32, %c0_i32_0 : i32, i32
  }
  func.func @transform_9(%arg0: i32) -> (i32, i32) {
    %c0_i32 = arith.constant 0 : i32
    %c0_i32_0 = arith.constant 0 : i32
    return %arg0, %c0_i32 : i32, i32
  }
  func.func @transform_10(%arg0: i32) -> (i32, i32) {
    %c0_i32 = arith.constant 0 : i32
    %c0_i32_0 = arith.constant 0 : i32
    return %arg0, %c0_i32 : i32, i32
  }
}

module attributes {stable_mosaic.version = 14 : i64} {
  func.func @_out_body(%arg0: i32, %arg1: memref<128x1024xf32, #tpu.memory_space<vmem>>, %arg2: memref<32x1024xf32, #tpu.memory_space<vmem>>, %arg3: memref<128x128xf32, #tpu.memory_space<vmem>>, %arg4: memref<1x128xf32, #tpu.memory_space<vmem>>, %arg5: memref<1024x128xf32, #tpu.memory_space<vmem>>) attributes {dimension_semantics = [#tpu.dimension_semantics<arbitrary>], iteration_bounds = array<i64: 10>, scalar_prefetch = 0 : i64, scratch_operands = 0 : i64, tpu.core_type = #tpu.core_type<tc>, window_params = [{transform_indices = @transform_0, window_bounds = array<i64: 128, 1024>}, {transform_indices = @transform_1, window_bounds = array<i64: 32, 1024>}, {pipeline_mode = #tpu.pipeline_mode<synchronous>, transform_indices = @transform_2, window_bounds = array<i64: 128, 128>}, {pipeline_mode = #tpu.pipeline_mode<synchronous>, transform_indices = @transform_3, window_bounds = array<i64: 1, 128>}, {transform_indices = @transform_4, window_bounds = array<i64: 1024, 128>}]} {
    %get3A = arith.constant 0 : index
    %get3A_0 = arith.constant 0 : index
    %get3A_1 = vector.load %arg2[%get3A, %get3A_0] : memref<32x1024xf32, #tpu.memory_space<vmem>>, vector<32x1024xf32>
    %reduce_sum3A = arith.constant dense<0.000000e+00> : vector<1024xf32>
    %reduce_sum3A_2 = vector.multi_reduction <add>, %get3A_1, %reduce_sum3A [0] : vector<32x1024xf32> to vector<1024xf32>
    %broadcast_in_dim3A = vector.shape_cast %reduce_sum3A_2 : vector<1024xf32> to vector<1x1024xf32>
    %get3A_3 = arith.constant 0 : index
    %get3A_4 = arith.constant 0 : index
    %get3A_5 = vector.load %arg1[%get3A_3, %get3A_4] : memref<128x1024xf32, #tpu.memory_space<vmem>>, vector<128x1024xf32>
    %max3A = arith.constant 1.000000e+00 : f32
    %max3A_6 = vector.broadcast %max3A : f32 to vector<1x1024xf32>
    %max3A_7 = arith.maximumf %broadcast_in_dim3A, %max3A_6 : vector<1x1024xf32>
    %div3A = vector.broadcast %max3A_7 : vector<1x1024xf32> to vector<128x1024xf32>
    %div3A_8 = arith.divf %get3A_5, %div3A : vector<128x1024xf32>
    %get3A_9 = arith.constant 0 : index
    %get3A_10 = arith.constant 0 : index
    %get3A_11 = vector.load %arg3[%get3A_9, %get3A_10] : memref<128x128xf32, #tpu.memory_space<vmem>>, vector<128x128xf32>
    %dot_general3A = arith.constant dense<0.000000e+00> : vector<1024x128xf32>
    %dot_general3A_12 = tpu.matmul %div3A_8, %get3A_11, %dot_general3A {dimension_numbers = #tpu.dot_dimension_numbers<[0], [0], [1], [1], [0, 1, 1, 1], [], []>, transpose_lhs_hint = false} : vector<128x1024xf32>, vector<128x128xf32>, vector<1024x128xf32> -> vector<1024x128xf32>
    %get3A_13 = arith.constant 0 : index
    %get3A_14 = arith.constant 0 : index
    %get3A_15 = vector.load %arg4[%get3A_13, %get3A_14] : memref<1x128xf32, #tpu.memory_space<vmem>>, vector<1x128xf32>
    %add3A = vector.broadcast %get3A_15 : vector<1x128xf32> to vector<1024x128xf32>
    %add3A_16 = arith.addf %dot_general3A_12, %add3A : vector<1024x128xf32>
    %max3A_17 = arith.constant 0.000000e+00 : f32
    %max3A_18 = vector.broadcast %max3A_17 : f32 to vector<1024x128xf32>
    %max3A_19 = arith.maximumf %add3A_16, %max3A_18 : vector<1024x128xf32>
    %swap3A = arith.constant 0 : index
    %swap3A_20 = arith.constant 0 : index
    %swap3A_21 = vector.load %arg5[%swap3A, %swap3A_20] : memref<1024x128xf32, #tpu.memory_space<vmem>>, vector<1024x128xf32>
    tpu.vector_store %arg5[%swap3A, %swap3A_20], %max3A_19 {strides = array<i32>} : memref<1024x128xf32, #tpu.memory_space<vmem>>, vector<1024x128xf32>,
    return
  }
  func.func @transform_0(%arg0: i32) -> (i32, i32) {
    %c0_i32 = arith.constant 0 : i32
    %c0_i32_0 = arith.constant 0 : i32
    return %c0_i32, %arg0 : i32, i32
  }
  func.func @transform_1(%arg0: i32) -> (i32, i32) {
    %c0_i32 = arith.constant 0 : i32
    %c0_i32_0 = arith.constant 0 : i32
    return %c0_i32, %arg0 : i32, i32
  }
  func.func @transform_2(%arg0: i32) -> (i32, i32) {
    %c0_i32 = arith.constant 0 : i32
    %c0_i32_0 = arith.constant 0 : i32
    %c0_i32_1 = arith.constant 0 : i32
    return %c0_i32, %c0_i32_0 : i32, i32
  }
  func.func @transform_3(%arg0: i32) -> (i32, i32) {
    %c0_i32 = arith.constant 0 : i32
    %c0_i32_0 = arith.constant 0 : i32
    %c0_i32_1 = arith.constant 0 : i32
    return %c0_i32, %c0_i32_0 : i32, i32
  }
  func.func @transform_4(%arg0: i32) -> (i32, i32) {
    %c0_i32 = arith.constant 0 : i32
    %c0_i32_0 = arith.constant 0 : i32
    return %arg0, %c0_i32 : i32, i32
  }
}

</mosaic_0001>

<sc_bundles>
// kernel: kernel.6.cloned.1.call-start
scs
__scs_entry_jumppad:
0x0: {  	(pc) =	sbr.rel $0x88, $3  }
0x1: {  	(tag) =	ssettag $0x0;
	lr =	simm.s32 $0x1  }
0x2: {  	[smem:$0x3F92] =	sst lr;
	_ =	strace $0xD0000000  }
0x3: {  	_ = 	snop  }
0x4: {  	_ = 	snop  }
0x5: {  	_ = 	snop  }
0x6: {  	_ = 	snop  }
0x7: {  	_ = 	snop  }
__scs_overlays_trampoline_lowered:
0x8: {  	[smem:$0x3FA1] =	sst s0  }
0x9: {  	[smem:$0x3FA2] =	sst s1  }
0xa: {  	[smem:$0x3FA3] =	sst s2  }
0xb: {  	[smem:$0x3FA4] =	sst s3  }
0xc: {  	[smem:$0x3FA5] =	sst s4  }
0xd: {  	[smem:$0x3FA6] =	sst s5  }
0xe: {  	[smem:$0x3FA7] =	sst s6  }
0xf: {  	[smem:$0x3FA8] =	sst s7  }
0x10: {  	[smem:$0x3FA9] =	sst s8  }
0x11: {  	[smem:$0x3FAA] =	sst s9;
	s0 =	simm.s32 @!p0 $0x0  }
0x12: {  	s1 =	sld [smem:$0x3F90];
	s0 =	simm.s32 @p0 $0x1  }
0x13: {  	[smem:$0x3FAB] =	sst s0;
	s0 =	simm.s32 @!p1 $0x0  }
0x14: {  	s2 =	sld [smem:$0x3F8F];
	s0 =	simm.s32 @p1 $0x1  }
0x15: {  	[smem:$0x3FAC] =	sst s0;
	s0 =	simm.s32 @!p2 $0x0  }
0x16: {  	s3 =	sld [smem:$0x3FDB];
	s0 =	simm.s32 @p2 $0x1  }
0x17: {  	s4 =	simm.s32 $0x1BF5;
	[smem:$0x3FAE] =	sst s0  }
0x18: {  	s0 =	sld [smem:$0x3F91];
	_ =	swait.ge [sflag:s4], $0x0  }
0x19: {  	s7 =	sld [smem:$0x3F92]  }
0x1a: {  	s8 =	sadd.s32 $0xFFFFE003, lr  }
0x1b: {  	s9 =	sadd.s32 $0xFFFFFEF7, lr;
	s5 =	simm.s32 $0xFFFFFFFF;
	p2 =	slt.u32 s8, $0xFFFFF086  }
0x1c: {  	p1 =	slt.u32 s9, $0xF7A;
	s5 =	simm.s32 @!p2 $0x0  }
0x1d: {  	s5 =	simm.s32 @p1 $0x1;
	p0 =	seq.s32 s7, s2  }
0x1e: {  	s7 =	smul.u32 @!p0 $0xF7A, s2;
	p2 =	seq.s32 @!p0 s5, $0x0  }
0x1f: {  	s9 =	smul.u32 $0xF7A, s1;
	s8 =	simm.s32 @!p0 $0x1BF5;
	p2 =	por !p2, p0  }
0x20: {  	[sflag:s8] =	ssyncset.s32 @!p0 $0xFFFFF086;
	s6 =	sadd.s32 @!p0 s3, s7;
	s7 =	simm.s32 @!p0 $0x108  }
0x21: {  	s3 =	sadd.s32 s3, s9;
	s6 =	sadd.s32 @!p0 $0x88, s6;
	s7 =	simm.s32 @p2 $0x1082  }
0x22: {  	[simem:s7], [sflag:s8] =	dma.local @!p0 [hbm:s6], $0xF7A  }
0x23: {  	s9 =	sor.u32 $0xD0000000, s2;
	s6 =	simm.s32 $0x108;
	_ =	swait.ge @!p0 [sflag:s8], $0x0  }
0x24: {  	s3 =	sadd.s32 $0x88, s3;
	s6 =	simm.s32 @!p1 $0x1082;
	[sflag:s4] =	ssyncset.s32 $0xFFFFF086  }
0x25: {  	[simem:s6], [sflag:s4] =	dma.local [hbm:s3], $0xF7A  }
0x26: {  	[smem:$0x3F92] =	sst s1;
	(tag) =	ssettag s2;
	_ =	strace s9  }
0x27: {  	s1 =	sld [smem:$0x3FA2]  }
0x28: {  	s2 =	sld [smem:$0x3FA3]  }
0x29: {  	s4 =	sld [smem:$0x3FA5]  }
0x2a: {  	p0 =	seq.s32 s5, $0x0;
	s5 =	sld [smem:$0x3FA6]  }
0x2b: {  	s6 =	sld [smem:$0x3FA7]  }
0x2c: {  	s7 =	sld [smem:$0x3FA8]  }
0x2d: {  	s3 =	simm.s32 $0x108;
	s8 =	sld [smem:$0x3FA9]  }
0x2e: {  	s3 =	simm.s32 @!p0 $0x1082;
	s9 =	sld [smem:$0x3FAA]  }
0x2f: {  	lr =	sadd.s32 s0, s3;
	s0 =	sld [smem:$0x3FA1]  }
0x30: {  	s3 =	sld [smem:$0x3FA4]  }
0x31: {  	[smem:$0x3FAD] =	sst s10  }
0x32: {  	s10 =	sld [smem:$0x3FAB];
	_ =	sdelay $0x3  }
0x33: {  	p0 =	seq.s32 s10, $0x1;
	s10 =	sld [smem:$0x3FAD];
	_ =	sdelay $0x3  }
0x34: {  	[smem:$0x3FAD] =	sst s10  }
0x35: {  	s10 =	sld [smem:$0x3FAC];
	_ =	sdelay $0x3  }
0x36: {  	p1 =	seq.s32 s10, $0x1;
	s10 =	sld [smem:$0x3FAD];
	_ =	sdelay $0x3  }
0x37: {  	[smem:$0x3FAD] =	sst s10  }
0x38: {  	s10 =	sld [smem:$0x3FAE]  }
0x39: {  	_ = 	snop;
	(pc) =	sbr.ind lr, $3  }
0x3a: {  	_ = 	snop  }
0x3b: {  	_ = 	snop  }
0x3c: {  	p2 =	seq.s32 s10, $0x1;
	s10 =	sld [smem:$0x3FAD]  }
0x3d: {  	_ =	shalt  }
0x3e: {  	_ =	shalt  }
0x3f: {  	_ =	shalt  }
0x40: {  	_ =	shalt  }
0x41: {  	_ =	shalt  }
0x42: {  	_ =	shalt  }
0x43: {  	_ =	shalt  }
0x44: {  	_ =	shalt  }
0x45: {  	_ =	shalt  }
0x46: {  	_ =	shalt  }
0x47: {  	_ =	shalt  }
0x48: {  	_ =	shalt  }
0x49: {  	_ =	shalt  }
0x4a: {  	_ =	shalt  }
0x4b: {  	_ =	shalt  }
0x4c: {  	_ =	shalt  }
0x4d: {  	_ =	shalt  }
0x4e: {  	_ =	shalt  }
0x4f: {  	_ =	shalt  }
0x50: {  	_ =	shalt  }
0x51: {  	_ =	shalt  }
0x52: {  	_ =	shalt  }
0x53: {  	_ =	shalt  }
0x54: {  	_ =	shalt  }
0x55: {  	_ =	shalt  }
0x56: {  	_ =	shalt  }
0x57: {  	_ =	shalt  }
0x58: {  	_ =	shalt  }
0x59: {  	_ =	shalt  }
0x5a: {  	_ =	shalt  }
0x5b: {  	_ =	shalt  }
0x5c: {  	_ =	shalt  }
0x5d: {  	_ =	shalt  }
0x5e: {  	_ =	shalt  }
0x5f: {  	_ =	shalt  }
0x60: {  	_ =	shalt  }
0x61: {  	_ =	shalt  }
0x62: {  	_ =	shalt  }
0x63: {  	_ =	shalt  }
0x64: {  	_ =	shalt  }
0x65: {  	_ =	shalt  }
0x66: {  	_ =	shalt  }
0x67: {  	_ =	shalt  }
0x68: {  	_ =	shalt  }
0x69: {  	_ =	shalt  }
0x6a: {  	_ =	shalt  }
0x6b: {  	_ =	shalt  }
0x6c: {  	_ =	shalt  }
0x6d: {  	_ =	shalt  }
0x6e: {  	_ =	shalt  }
0x6f: {  	_ =	shalt  }
0x70: {  	_ =	shalt  }
0x71: {  	_ =	shalt  }
0x72: {  	_ =	shalt  }
0x73: {  	_ =	shalt  }
0x74: {  	_ =	shalt  }
0x75: {  	_ =	shalt  }
0x76: {  	_ =	shalt  }
0x77: {  	_ =	shalt  }
0x78: {  	_ =	shalt  }
0x79: {  	_ =	shalt  }
0x7a: {  	_ =	shalt  }
0x7b: {  	_ =	shalt  }
0x7c: {  	_ =	shalt  }
0x7d: {  	_ =	shalt  }
0x7e: {  	_ =	shalt  }
0x7f: {  	_ =	shalt  }
0x80: {  	_ =	shalt  }
0x81: {  	_ =	shalt  }
0x82: {  	_ =	shalt  }
0x83: {  	_ =	shalt  }
0x84: {  	_ =	shalt  }
0x85: {  	_ =	shalt  }
0x86: {  	_ =	shalt  }
0x87: {  	_ =	shalt  }
.Lfunc_end0:
.L_simem_size_0:
called_computation_lowered:
.L_overlay_start_0:
0x88: {  	s2 =	sld [smem:$0x3FD9]  }
0x89: {  	s3 =	sld [smem:$0x3FFE];
	_ =	sdelay $0x1  }
0x8a: {  	s1 =	srdreg.scid  }
0x8b: {  	s0 =	sand.u32 $0x1, s1  }
0x8c: {  	s16 =	sshll.u32 s0, $0xA;
	s2 =	sadd.s32 s3, s2  }
0x8d: {  	s2 =	sadd.s32 s2, s16  }
0x8e: {  	[smem:$0x3FB9] =	sst s2  }
0x8f: {  	_ = 	snop  }
0x90: {  	(tm) =	ssettm $0x1  }
0x91: {  	s17 =	sld [smem:$0x3FFB];
	_ =	sdelay $0x3  }
0x92: {  	_ =	strace s17  }
0x93: {  	s2 =	sld [smem:$0x3FFC];
	_ =	sdelay $0x3  }
0x94: {  	_ =	strace s2  }
0x95: {  	s2 =	sld [smem:$0x3FFD];
	_ =	sdelay $0x3  }
0x96: {  	_ =	strace s2  }
0x97: {  	_ =	strace $0x8FFFFFFF  }
0x98: {  	s18 =	sld [smem:$0x3FDB];
	_ =	sdelay $0x1  }
0x99: {  	s19 =	simm.s32 $_scs_section_size  }
0x9a: {  	s4 =	simm.s32 $_size__tile_overlayer_lowered;
	s5 =	simm.s32 $_tile_overlayer_lowered  }
0x9b: {  	s22 =	simm.s32 $0x1BFF;
	s21 =	sshll.u32 s5, $0x1;
	s2 =	sadd.s32 s19, s18  }
0x9c: {  	s6 =	simm.s32 $0x0;
	s20 =	sshll.u32 s4, $0x1;
	s4 =	sadd.s32 s21, s2  }
0x9d: {  	[timem:s6], [sflag:s22] =	dma.local [hbm:s4], s20  }
0x9e: {  	_ =	swait.ge [sflag:s22], s20  }
0x9f: {  	s3 =	ssub.s32 $0x0, s20;
	[sflag:s22] =	ssyncset.done $0x0  }
0xa0: {  	[sflag:s22] =	ssyncadd.s32 s3;
	_ =	sdelay $0x1  }
0xa1: {  	s23 =	simm.s32 $0x1B8B  }
0xa2: {  	_ =	swait.ge [sflag:s23], $0x1  }
0xa3: {  	[sflag:s23] =	ssyncset.done $0x0  }
0xa4: {  	s25 =	simm.s32 $0x1B8E;
	s24 =	sld [smem:$0x3FFE];
	[sflag:s23] =	ssyncadd.s32 $0xFFFFFFFF  }
0xa5: {  	s26 =	simm.s32 $execute0_lowered;
	[smem:$0x3FD2] =	sst s25  }
0xa6: {  	s4 =	sshll.u32 s26, $0x1;
	_ =	strace $0x80000046;
	[dreg:$0x1] =	wrdreg $0xFFFFFFFF  }
0xa7: {  	s28 =	simm.s32 $_size_execute0_lowered;
	s2 =	sadd.s32 s2, s4;
	[dreg:$0x0] =	wrdreg $0x0  }
0xa8: {  	s4 =	sshll.u32 s28, $0x1;
	[dreg:$0x2] =	wrdreg s2  }
0xa9: {  	[dreg:$0x3] =	wrdreg s4  }
0xaa: {  	[dreg:$0x4] =	wrdreg $0xC0  }
0xab: {  	_ =	task [dreg:s6], $0x5FFFF  }
0xac: {  	[dreg:$0x1] =	wrdreg $0xFFFFFFFF  }
0xad: {  	[dreg:$0x0] =	wrdreg $0x60  }
0xae: {  	[dreg:$0x2] =	wrdreg s24  }
0xaf: {  	[dreg:$0x3] =	wrdreg $0x9  }
0xb0: {  	_ =	task.clear_ibuf [dreg:s6], $0x4FFFF;
	_ =	strace $0x90000046  }
0xb1: {  	s29 =	simm.s32 $0x9;
	_ =	strace $0x80000048  }
0xb2: {  	_ =	swait.ge [sflag:s29], $0x1  }
0xb3: {  	[sflag:s29] =	ssyncadd.s32 $0xFFFFFFFF  }
0xb4: {  	_ =	strace $0x90000048  }
0xb5: {  	_ =	sfence  }
0xb6: {  	s30 =	sld [smem:$0x0];
	_ =	sdelay $0x2  }
0xb7: {  	s31 =	sshll.u32 s1, $0xD;
	s1 =	sshrl.u32 s1, $0x2  }
0xb8: {  	s3 =	sand.u32 $0x4000, s31;
	s1 =	sadd.s32 s1, s30  }
0xb9: {  	s0 =	sor.u32 s3, s0;
	s1 =	sshll.u32 s1, $0x11  }
0xba: {  	s0 =	sor.u32 s1, s0  }
0xbb: {  	s0 =	sadd.s32 $0x8F2B, s0  }
0xbc: {  	[sflag:s0] =	ssyncadd.remote.s32 $0x1  }
0xbd: {  	_ =	sfence.sel $0xFFFF  }
0xbe: {  	[dreg:$0x0] =	wrdreg $0xFFFFFFFF;
	(pc) =	sbr.abs _section_cstart, $3  }
0xbf: {  	[dreg:$0x1] =	wrdreg $0xFFFFFFFF  }
0xc0: {  	_ =	task.clear_ibuf [dreg:s6], $0x2FFFF;
	_ =	strace $0x9FFFFFFF  }
0xc1: {  	(tm) =	ssettm $0x7FFFFFFF  }
tec
execute0_lowered:
.L_overlay_start_1:
0x0: {  	(tag) =	ssettag $0x1  }
0x1: {  	s5 =	rddreg [dreg:$0x0]  }
0x2: {  	s1 =	srdreg.scid;
	s0 =	rddreg [dreg:$0x1]  }
0x3: {  	s2 =	simm.s32 $0x0;
	s10 =	simm.s32 $0xA000;
	s3 =	sand.u32 $0x1, s1  }
0x4: {  	s12 =	simm.s32 $0x15400;
	s1 =	stileid.u32;
	s4 =	sshll.u32 s3, $0x4  }
0x5: {  	s13 =	simm.s32 $0x0;
	[smem:$0x7FF] =	sst s2;
	s6 =	sor.u32 s1, s4  }
0x6: {  	_ =	strace $0x80000047;
	s8 =	ssub.s32 $0x2, s3;
	s7 =	smul.u32 $0x1400, s6  }
0x7: {  	s3 =	sadd.s32 $0x2400, s5;
	s9 =	sshrl.u32 s8, $0x1;
	s11 =	smul.u32 $0xFFFFFEC0, s6  }
0x8: {  	s4 =	sadd.s32 $0x2800, s5;
	s8 =	ssub.s32 s8, s9;
	s9 =	simm.s32 $0x1  }
0x9: {  	s8 =	smax.u32 s8, $0x1;
	s7 =	sadd.s32 s7, s5;
	v0 =	vmov s11;
	s11 =	simm.s32 $0x14000  }
0xa: {  	s5 =	sadd.s32 $0x2C00, s7;
	s6 =	sadd.s32 $0x2AC00, s7;
	s7 =	sadd.s32 $0x52C00, s7  }
.LBB2_1:
0xb: {  	[tilespmem:s2], [sflag:$0x1] =	stream.linear.gather [hbm4b:s5+s2], $0xA000, $0x38;
	[tilespmem:$0x16800] =	vst v63  }
0xc: {  	_ =	swait.ge [sflag:s9], $0xA000  }
0xd: {  	[sflag:s9] =	ssyncset.done $0x0  }
0xe: {  	[sflag:s9] =	ssyncadd.s32 $0xFFFF6000  }
0xf: {  	[tilespmem:s10], [sflag:$0x1] =	stream.linear.gather [hbm4b:s6+s2], $0xA000, $0x38;
	[tilespmem:$0x16800] =	vst v63  }
0x10: {  	_ =	swait.ge [sflag:s9], $0xA000  }
0x11: {  	[sflag:s9] =	ssyncset.done $0x0  }
0x12: {  	[sflag:s9] =	ssyncadd.s32 $0xFFFF6000  }
0x13: {  	[tilespmem:s11], [sflag:$0x1] =	stream.linear.gather [hbm4b:s3+s2], $0x1400, $0x38;
	[tilespmem:$0x16800] =	vst v63  }
0x14: {  	_ =	swait.ge [sflag:s9], $0x1400  }
0x15: {  	[sflag:s9] =	ssyncset.done $0x0  }
0x16: {  	[sflag:s9] =	ssyncadd.s32 $0xFFFFEC00  }
0x17: {  	[tilespmem:s12], [sflag:$0x1] =	stream.linear.gather [hbm4b:s4+s2], $0x1400, $0x38;
	[tilespmem:$0x16800] =	vst v63  }
0x18: {  	_ =	swait.ge [sflag:s9], $0x1400  }
0x19: {  	[sflag:s9] =	ssyncset.done $0x0  }
0x1a: {  	s15 =	simm.s32 $0x0;
	s14 =	simm.s32 $0x40;
	[sflag:s9] =	ssyncadd.s32 $0xFFFFEC00  }
.LBB2_2:
0x1b: {  	p0 =	sne.s32 s14, $0x4E00;
	v1 =	vld [tilespmem:s15+$0x14000];
	_ =	sdelay $0x1  }
0x1c: {  	v2 =	vld [tilespmem:s15+$0x15400];
	_ =	sdelay $0x2  }
0x1d: {  	v1 =	vadd.s32 v0, v1  }
0x1e: {  	vm0 =	vgt.s32 v1, $0x0  }
0x1f: {  	v3 =	vnsel vm0, $0x0, v1;
	vm0 =	vgt.s32 v2, $0x0  }
0x20: {  	v3 =	vmin.u32 v3, $0x13F;
	v2 =	vnsel vm0, $0x0, v2  }
0x21: {  	vm0 =	vlt.u32 v1, $0x140;
	v1 =	vmin.u32 v2, $0x7F;
	v2 =	vshll.u32 v3, $0x7  }
0x22: {  	v1 =	vor.u32 v1, v2;
	_ =	sdelay $0x4  }
0x23: {  	v2 =	vld.idx.msk [tilespmem:v1+s10+$0x0], vm0;
	_ =	sdelay $0x1  }
.Ltmp0:
0x24: {  	(pc) =	sbr.rel @p0 .LBB2_2-.Ltmp0, $2  }
0x25: {  	_ =	sdelay $0x2  }
0x26: {  	s15 =	sshra.s32 s14, $0x2;
	s14 =	sadd.s32 $0x40, s14;
	[tilespmem:v1+s2+$0x0] =	vst.idx.msk vm0, v2  }
0x27: {  	v1 =	vld [tilespmem:s15+$0x14000];
	_ =	sdelay $0x1  }
0x28: {  	v2 =	vld [tilespmem:s15+$0x15400];
	_ =	sdelay $0x2  }
0x29: {  	v1 =	vadd.s32 v0, v1  }
0x2a: {  	vm0 =	vgt.s32 v1, $0x0  }
0x2b: {  	vm14 =	vgt.s32 v2, $0x0;
	v3 =	vnsel vm0, $0x0, v1  }
0x2c: {  	v2 =	vnsel vm14, $0x0, v2;
	v3 =	vmin.u32 v3, $0x13F  }
0x2d: {  	vm15 =	vlt.u32 v1, $0x140;
	v1 =	vmin.u32 v2, $0x7F;
	v2 =	vshll.u32 v3, $0x7  }
0x2e: {  	v1 =	vor.u32 v1, v2;
	_ =	sdelay $0x4  }
0x2f: {  	v2 =	vld.idx.msk [tilespmem:v1+s10+$0x0], vm15;
	_ =	sdelay $0x2  }
0x30: {  	s13 =	sadd.s32 $0x1, s13  }
0x31: {  	p0 =	sne.s32 s13, s8  }
.Ltmp1:
0x32: {  	[tilespmem:v1+s2+$0x0] =	vst.idx.msk vm15, v2;
	(pc) =	sbr.rel @p0 .LBB2_1-.Ltmp1, $4  }
0x33: {  	[hbm4b:s7+s2] =	stream.linear.scatter [tilespmem:s2], [sflag:$0x1], $0xA000, $0x38;
	[tilespmem:$0x16800] =	vst v63  }
0x34: {  	_ =	swait.ge [sflag:s9], $0xA000  }
0x35: {  	[sflag:s9] =	ssyncset.done $0x0  }
0x36: {  	[sflag:s9] =	ssyncadd.s32 $0xFFFF6000  }
0x37: {  	_ =	sfence.sel $0x180000  }
0x38: {  	[bflag:$0x0] =	sbarrier.arrive $0xFFFF  }
0x39: {  	p0 =	sne.s32 s1, $0x0;
	_ =	strace $0x90000047  }
0x3a: {  	s0 =	sadd.s32 @!p0 $0x100000, s0;
	[bflag:$0x2] =	sbarrier.arrive $0xFFFF  }
0x3b: {  	[sflag:s0] =	ssyncadd.tile.s32 @!p0 $0x1;
	_ =	shalt  }
.Lfunc_end2:
_tile_overlayer_lowered:
.L_overlay_start_2:
0x3c: {  	(tag) =	ssettag $0x2  }
0x3d: {  	s0 =	rddreg [dreg:$0x0];
	s2 =	stileid.u32  }
0x3e: {  	s1 =	rddreg [dreg:$0x1];
	p0 =	sne.s32 s2, $0x0  }
0x3f: {  	s3 =	rddreg [dreg:$0x2];
	[bflag:$0x3] =	sbarrier.arrive $0xFFFF;
	s2 =	simm.s32 @!p0 $0x1C01  }
0x40: {  	[timem:s3], [sflag:s2] =	dma.local @!p0 [hbm:s0], s1  }
0x41: {  	s0 =	simm.s32 @!p0 $0x1  }
0x42: {  	_ =	swait.ge @!p0 [sflag:s0], s1  }
0x43: {  	s1 =	ssub.s32 @!p0 $0x0, s1;
	[sflag:s0] =	ssyncset.done @!p0 $0x0  }
0x44: {  	[sflag:s0] =	ssyncadd.s32 @!p0 s1  }
0x45: {  	[bflag:$0x3] =	sbarrier.arrive $0xFFFF  }
0x46: {  	_ =	shalt  }

// kernel: kernel.9.cloned.1.call-start
scs
__scs_entry_jumppad:
0x0: {  	(pc) =	sbr.rel $0x88, $3  }
0x1: {  	(tag) =	ssettag $0x0;
	lr =	simm.s32 $0x1  }
0x2: {  	[smem:$0x3F92] =	sst lr;
	_ =	strace $0xD0000000  }
0x3: {  	_ = 	snop  }
0x4: {  	_ = 	snop  }
0x5: {  	_ = 	snop  }
0x6: {  	_ = 	snop  }
0x7: {  	_ = 	snop  }
__scs_overlays_trampoline_lowered:
0x8: {  	[smem:$0x3FA1] =	sst s0  }
0x9: {  	[smem:$0x3FA2] =	sst s1  }
0xa: {  	[smem:$0x3FA3] =	sst s2  }
0xb: {  	[smem:$0x3FA4] =	sst s3  }
0xc: {  	[smem:$0x3FA5] =	sst s4  }
0xd: {  	[smem:$0x3FA6] =	sst s5  }
0xe: {  	[smem:$0x3FA7] =	sst s6  }
0xf: {  	[smem:$0x3FA8] =	sst s7  }
0x10: {  	[smem:$0x3FA9] =	sst s8  }
0x11: {  	[smem:$0x3FAA] =	sst s9;
	s0 =	simm.s32 @!p0 $0x0  }
0x12: {  	s1 =	sld [smem:$0x3F90];
	s0 =	simm.s32 @p0 $0x1  }
0x13: {  	[smem:$0x3FAB] =	sst s0;
	s0 =	simm.s32 @!p1 $0x0  }
0x14: {  	s2 =	sld [smem:$0x3F8F];
	s0 =	simm.s32 @p1 $0x1  }
0x15: {  	[smem:$0x3FAC] =	sst s0;
	s0 =	simm.s32 @!p2 $0x0  }
0x16: {  	s3 =	sld [smem:$0x3FDB];
	s0 =	simm.s32 @p2 $0x1  }
0x17: {  	s4 =	simm.s32 $0x1BF5;
	[smem:$0x3FAE] =	sst s0  }
0x18: {  	s0 =	sld [smem:$0x3F91];
	_ =	swait.ge [sflag:s4], $0x0  }
0x19: {  	s7 =	sld [smem:$0x3F92]  }
0x1a: {  	s8 =	sadd.s32 $0xFFFFE003, lr  }
0x1b: {  	s9 =	sadd.s32 $0xFFFFFEF7, lr;
	s5 =	simm.s32 $0xFFFFFFFF;
	p2 =	slt.u32 s8, $0xFFFFF086  }
0x1c: {  	p1 =	slt.u32 s9, $0xF7A;
	s5 =	simm.s32 @!p2 $0x0  }
0x1d: {  	s5 =	simm.s32 @p1 $0x1;
	p0 =	seq.s32 s7, s2  }
0x1e: {  	s7 =	smul.u32 @!p0 $0xF7A, s2;
	p2 =	seq.s32 @!p0 s5, $0x0  }
0x1f: {  	s9 =	smul.u32 $0xF7A, s1;
	s8 =	simm.s32 @!p0 $0x1BF5;
	p2 =	por !p2, p0  }
0x20: {  	[sflag:s8] =	ssyncset.s32 @!p0 $0xFFFFF086;
	s6 =	sadd.s32 @!p0 s3, s7;
	s7 =	simm.s32 @!p0 $0x108  }
0x21: {  	s3 =	sadd.s32 s3, s9;
	s6 =	sadd.s32 @!p0 $0x88, s6;
	s7 =	simm.s32 @p2 $0x1082  }
0x22: {  	[simem:s7], [sflag:s8] =	dma.local @!p0 [hbm:s6], $0xF7A  }
0x23: {  	s9 =	sor.u32 $0xD0000000, s2;
	s6 =	simm.s32 $0x108;
	_ =	swait.ge @!p0 [sflag:s8], $0x0  }
0x24: {  	s3 =	sadd.s32 $0x88, s3;
	s6 =	simm.s32 @!p1 $0x1082;
	[sflag:s4] =	ssyncset.s32 $0xFFFFF086  }
0x25: {  	[simem:s6], [sflag:s4] =	dma.local [hbm:s3], $0xF7A  }
0x26: {  	[smem:$0x3F92] =	sst s1;
	(tag) =	ssettag s2;
	_ =	strace s9  }
0x27: {  	s1 =	sld [smem:$0x3FA2]  }
0x28: {  	s2 =	sld [smem:$0x3FA3]  }
0x29: {  	s4 =	sld [smem:$0x3FA5]  }
0x2a: {  	p0 =	seq.s32 s5, $0x0;
	s5 =	sld [smem:$0x3FA6]  }
0x2b: {  	s6 =	sld [smem:$0x3FA7]  }
0x2c: {  	s7 =	sld [smem:$0x3FA8]  }
0x2d: {  	s3 =	simm.s32 $0x108;
	s8 =	sld [smem:$0x3FA9]  }
0x2e: {  	s3 =	simm.s32 @!p0 $0x1082;
	s9 =	sld [smem:$0x3FAA]  }
0x2f: {  	lr =	sadd.s32 s0, s3;
	s0 =	sld [smem:$0x3FA1]  }
0x30: {  	s3 =	sld [smem:$0x3FA4]  }
0x31: {  	[smem:$0x3FAD] =	sst s10  }
0x32: {  	s10 =	sld [smem:$0x3FAB];
	_ =	sdelay $0x3  }
0x33: {  	p0 =	seq.s32 s10, $0x1;
	s10 =	sld [smem:$0x3FAD];
	_ =	sdelay $0x3  }
0x34: {  	[smem:$0x3FAD] =	sst s10  }
0x35: {  	s10 =	sld [smem:$0x3FAC];
	_ =	sdelay $0x3  }
0x36: {  	p1 =	seq.s32 s10, $0x1;
	s10 =	sld [smem:$0x3FAD];
	_ =	sdelay $0x3  }
0x37: {  	[smem:$0x3FAD] =	sst s10  }
0x38: {  	s10 =	sld [smem:$0x3FAE]  }
0x39: {  	_ = 	snop;
	(pc) =	sbr.ind lr, $3  }
0x3a: {  	_ = 	snop  }
0x3b: {  	_ = 	snop  }
0x3c: {  	p2 =	seq.s32 s10, $0x1;
	s10 =	sld [smem:$0x3FAD]  }
0x3d: {  	_ =	shalt  }
0x3e: {  	_ =	shalt  }
0x3f: {  	_ =	shalt  }
0x40: {  	_ =	shalt  }
0x41: {  	_ =	shalt  }
0x42: {  	_ =	shalt  }
0x43: {  	_ =	shalt  }
0x44: {  	_ =	shalt  }
0x45: {  	_ =	shalt  }
0x46: {  	_ =	shalt  }
0x47: {  	_ =	shalt  }
0x48: {  	_ =	shalt  }
0x49: {  	_ =	shalt  }
0x4a: {  	_ =	shalt  }
0x4b: {  	_ =	shalt  }
0x4c: {  	_ =	shalt  }
0x4d: {  	_ =	shalt  }
0x4e: {  	_ =	shalt  }
0x4f: {  	_ =	shalt  }
0x50: {  	_ =	shalt  }
0x51: {  	_ =	shalt  }
0x52: {  	_ =	shalt  }
0x53: {  	_ =	shalt  }
0x54: {  	_ =	shalt  }
0x55: {  	_ =	shalt  }
0x56: {  	_ =	shalt  }
0x57: {  	_ =	shalt  }
0x58: {  	_ =	shalt  }
0x59: {  	_ =	shalt  }
0x5a: {  	_ =	shalt  }
0x5b: {  	_ =	shalt  }
0x5c: {  	_ =	shalt  }
0x5d: {  	_ =	shalt  }
0x5e: {  	_ =	shalt  }
0x5f: {  	_ =	shalt  }
0x60: {  	_ =	shalt  }
0x61: {  	_ =	shalt  }
0x62: {  	_ =	shalt  }
0x63: {  	_ =	shalt  }
0x64: {  	_ =	shalt  }
0x65: {  	_ =	shalt  }
0x66: {  	_ =	shalt  }
0x67: {  	_ =	shalt  }
0x68: {  	_ =	shalt  }
0x69: {  	_ =	shalt  }
0x6a: {  	_ =	shalt  }
0x6b: {  	_ =	shalt  }
0x6c: {  	_ =	shalt  }
0x6d: {  	_ =	shalt  }
0x6e: {  	_ =	shalt  }
0x6f: {  	_ =	shalt  }
0x70: {  	_ =	shalt  }
0x71: {  	_ =	shalt  }
0x72: {  	_ =	shalt  }
0x73: {  	_ =	shalt  }
0x74: {  	_ =	shalt  }
0x75: {  	_ =	shalt  }
0x76: {  	_ =	shalt  }
0x77: {  	_ =	shalt  }
0x78: {  	_ =	shalt  }
0x79: {  	_ =	shalt  }
0x7a: {  	_ =	shalt  }
0x7b: {  	_ =	shalt  }
0x7c: {  	_ =	shalt  }
0x7d: {  	_ =	shalt  }
0x7e: {  	_ =	shalt  }
0x7f: {  	_ =	shalt  }
0x80: {  	_ =	shalt  }
0x81: {  	_ =	shalt  }
0x82: {  	_ =	shalt  }
0x83: {  	_ =	shalt  }
0x84: {  	_ =	shalt  }
0x85: {  	_ =	shalt  }
0x86: {  	_ =	shalt  }
0x87: {  	_ =	shalt  }
.Lfunc_end0:
.L_simem_size_0:
called_computation.1_lowered:
.L_overlay_start_0:
0x88: {  	s2 =	sld [smem:$0x3FD9]  }
0x89: {  	s3 =	sld [smem:$0x3FFE];
	_ =	sdelay $0x1  }
0x8a: {  	s1 =	srdreg.scid  }
0x8b: {  	s0 =	sand.u32 $0x1, s1  }
0x8c: {  	s17 =	sshll.u32 s0, $0xA;
	s2 =	sadd.s32 s3, s2  }
0x8d: {  	s2 =	sadd.s32 s2, s17  }
0x8e: {  	[smem:$0x3FB9] =	sst s2  }
0x8f: {  	_ = 	snop  }
0x90: {  	s2 =	sld [smem:$0x3FD0];
	(tm) =	ssettm $0x1  }
0x91: {  	s18 =	sld [smem:$0x3FFB];
	_ =	sdelay $0x3  }
0x92: {  	_ =	strace s18  }
0x93: {  	s3 =	sld [smem:$0x3FFC];
	_ =	sdelay $0x3  }
0x94: {  	_ =	strace s3  }
0x95: {  	s3 =	sld [smem:$0x3FFD];
	_ =	sdelay $0x3  }
0x96: {  	_ =	strace s3  }
0x97: {  	_ =	strace $0x8FFFFFFF  }
0x98: {  	s19 =	sld [smem:$0x3FDB];
	_ =	sdelay $0x1  }
0x99: {  	s4 =	simm.s32 $_scs_section_size  }
0x9a: {  	s5 =	simm.s32 $_size__tile_overlayer_lowered;
	s6 =	simm.s32 $_tile_overlayer_lowered  }
0x9b: {  	s22 =	simm.s32 $0x1BFF;
	s21 =	sshll.u32 s6, $0x1;
	s3 =	sadd.s32 s4, s19  }
0x9c: {  	s7 =	simm.s32 $0x0;
	s20 =	sshll.u32 s5, $0x1;
	s5 =	sadd.s32 s21, s3  }
0x9d: {  	[timem:s7], [sflag:s22] =	dma.local [hbm:s5], s20  }
0x9e: {  	_ =	swait.ge [sflag:s22], s20  }
0x9f: {  	s4 =	ssub.s32 $0x0, s20;
	[sflag:s22] =	ssyncset.done $0x0  }
0xa0: {  	[sflag:s22] =	ssyncadd.s32 s4;
	_ =	sdelay $0x1  }
0xa1: {  	s23 =	simm.s32 $0x1B8B  }
0xa2: {  	_ =	swait.ge [sflag:s23], $0x1  }
0xa3: {  	[sflag:s23] =	ssyncset.done $0x0  }
0xa4: {  	s25 =	simm.s32 $0x1B8E;
	s24 =	sld [smem:$0x3FFE];
	[sflag:s23] =	ssyncadd.s32 $0xFFFFFFFF  }
0xa5: {  	s26 =	simm.s32 $execute0_lowered;
	[smem:$0x3FD2] =	sst s25  }
0xa6: {  	s5 =	sshll.u32 s26, $0x1;
	_ =	strace $0x80000049;
	[dreg:$0x1] =	wrdreg $0xFFFFFFFF  }
0xa7: {  	s28 =	simm.s32 $_size_execute0_lowered;
	s3 =	sadd.s32 s3, s5;
	[dreg:$0x0] =	wrdreg $0x0  }
0xa8: {  	s5 =	sshll.u32 s28, $0x1;
	[dreg:$0x2] =	wrdreg s3  }
0xa9: {  	[dreg:$0x3] =	wrdreg s5  }
0xaa: {  	[dreg:$0x4] =	wrdreg $0xC0  }
0xab: {  	_ =	task [dreg:s7], $0x5FFFF  }
0xac: {  	[dreg:$0x1] =	wrdreg $0xFFFFFFFF  }
0xad: {  	[dreg:$0x0] =	wrdreg $0x60  }
0xae: {  	[dreg:$0x2] =	wrdreg s24  }
0xaf: {  	[dreg:$0x3] =	wrdreg s2  }
0xb0: {  	[dreg:$0x4] =	wrdreg $0x9  }
0xb1: {  	_ =	task.clear_ibuf [dreg:s7], $0x5FFFF;
	_ =	strace $0x90000049  }
0xb2: {  	s29 =	simm.s32 $0x9;
	_ =	strace $0x8000004B  }
0xb3: {  	_ =	swait.ge [sflag:s29], $0x1  }
0xb4: {  	[sflag:s29] =	ssyncadd.s32 $0xFFFFFFFF  }
0xb5: {  	_ =	strace $0x9000004B  }
0xb6: {  	_ =	sfence  }
0xb7: {  	s30 =	sld [smem:$0x0];
	_ =	sdelay $0x2  }
0xb8: {  	s31 =	sshll.u32 s1, $0xD;
	s1 =	sshrl.u32 s1, $0x2  }
0xb9: {  	s3 =	sand.u32 $0x4000, s31;
	s1 =	sadd.s32 s1, s30  }
0xba: {  	s0 =	sor.u32 s3, s0;
	s1 =	sshll.u32 s1, $0x11  }
0xbb: {  	s0 =	sor.u32 s1, s0  }
0xbc: {  	s0 =	sadd.s32 $0x8F2B, s0  }
0xbd: {  	[sflag:s0] =	ssyncadd.remote.s32 $0x1  }
0xbe: {  	_ =	sfence.sel $0xFFFF  }
0xbf: {  	[dreg:$0x0] =	wrdreg $0xFFFFFFFF;
	(pc) =	sbr.abs _section_cstart, $3  }
0xc0: {  	[dreg:$0x1] =	wrdreg $0xFFFFFFFF  }
0xc1: {  	_ =	task.clear_ibuf [dreg:s7], $0x2FFFF;
	_ =	strace $0x9FFFFFFF  }
0xc2: {  	(tm) =	ssettm $0x7FFFFFFF  }
0xc3: {  	_ =	shalt  }
tec
execute0_lowered:
.L_overlay_start_1:
0x0: {  	(tag) =	ssettag $0x1  }
0x1: {  	s0 =	srdreg.scid;
	s6 =	rddreg [dreg:$0x0]  }
0x2: {  	s2 =	rddreg [dreg:$0x1];
	s4 =	simm.s32 $0x0;
	s5 =	sand.u32 $0x1, s0  }
0x3: {  	s11 =	simm.s32 $0x1;
	s0 =	stileid.u32;
	s1 =	sshll.u32 s5, $0x4  }
0x4: {  	s12 =	simm.s32 $0x1E000;
	s13 =	simm.s32 $0x1EF00;
	s3 =	sor.u32 s0, s1  }
0x5: {  	s14 =	simm.s32 $0xA000;
	s15 =	simm.s32 $0x2;
	s7 =	smul.u32 $0x1400, s3  }
0x6: {  	s16 =	simm.s32 $0x0;
	s5 =	ssub.s32 $0x2, s5;
	s8 =	smul.u32 $0x2800, s3  }
.Ltmp0:
0x7: {  	[smem:$0x7FF] =	sst s4;
	s9 =	sshrl.u32 s5, $0x1;
	(pc) =	sbr.rel .LBB2_1-.Ltmp0, $4  }
0x8: {  	s1 =	rddreg [dreg:$0x2];
	s10 =	smul.u32 $0x1E0, s3;
	s9 =	ssub.s32 s5, s9  }
0x9: {  	_ =	strace $0x8000004A;
	s9 =	smax.u32 s9, $0x1;
	s7 =	sadd.s32 s7, s6  }
0xa: {  	s8 =	sadd.s32 s8, s6;
	s6 =	sadd.s32 s2, s10;
	s10 =	simm.s32 $0x3  }
0xb: {  	v0 =	vimm.f32 $0.0e+00;
	v1 =	vimm.f32 $1.000000000e+00;
	s5 =	sadd.s32 $0x2400, s7;
	s7 =	sadd.s32 $0x1, s3;
	s8 =	sadd.s32 $0x2A400, s8  }
.LBB2_15:
0xc: {  	s16 =	sadd.s32 $0x1, s16  }
0xd: {  	p0 =	sne.s32 s16, s9  }
.Ltmp1:
0xe: {  	_ = 	snop;
	(pc) =	sbr.rel @!p0 .LBB2_16-.Ltmp1, $4  }
0xf: {  	[hbm4b:s8+s4] =	stream.linear.scatter [tilespmem:s14], [sflag:$0x3], $0x14000, $0x38;
	[tilespmem:$0x1FE00] =	vst v63  }
0x10: {  	_ =	swait.ge [sflag:s10], $0x14000  }
0x11: {  	[sflag:s10] =	ssyncset.done $0x0  }
0x12: {  	[sflag:s10] =	ssyncadd.s32 $0xFFFEC000  }
.LBB2_1:
0x13: {  	[tilespmem:s4], [sflag:$0x3] =	stream.linear.gather [hbm4b:s5+s4], $0xA000, $0x38;
	[tilespmem:$0x1FE00] =	vst v63  }
0x14: {  	_ =	swait.ge [sflag:s10], $0xA000  }
0x15: {  	s17 =	sand.u32 $0x40, s4;
	s18 =	sand.u32 $0x1FC00, s4;
	[sflag:s10] =	ssyncset.done $0x0  }
0x16: {  	s17 =	sor.u32 s17, s18;
	[sflag:s10] =	ssyncadd.s32 $0xFFFF6000  }
0x17: {  	[tilespmem:s17+$0xA100] =	vst v0  }
0x18: {  	[tilespmem:s17+$0xA080] =	vst v0  }
0x19: {  	[tilespmem:s17+$0xA000] =	vst v0  }
0x1a: {  	[tilespmem:s17+$0xA180] =	vst v0  }
0x1b: {  	[tilespmem:s17+$0xA1B0] =	vst v0  }
0x1c: {  	[tilespmem:s17+$0xA010] =	vst v0  }
0x1d: {  	[tilespmem:s17+$0xA130] =	vst v0  }
0x1e: {  	[tilespmem:s17+$0xA090] =	vst v0  }
0x1f: {  	[tilespmem:s17+$0xA190] =	vst v0  }
0x20: {  	[tilespmem:s17+$0xA0B0] =	vst v0  }
0x21: {  	p0 =	por $0x0, $0x0;
	s19 =	simm.s32 $0x1;
	[tilespmem:s17+$0xA110] =	vst v0  }
0x22: {  	s19 =	simm.s32 @!p0 $0x0;
	[tilespmem:s17+$0xA1A0] =	vst v0  }
0x23: {  	s28 =	sshll.u32 s19, $0x6;
	[tilespmem:s17+$0xA030] =	vst v0  }
0x24: {  	s18 =	sadd.s32 $0x0, s28;
	[tilespmem:s17+$0xA120] =	vst v0  }
0x25: {  	s29 =	sor.u32 $0x200, s18;
	s30 =	sadd.s32 $0x10, s18;
	[tilespmem:s17+$0xA0A0] =	vst v0  }
0x26: {  	p0 =	por !p0, !p0;
	s31 =	sadd.s32 $0x30, s18;
	[tilespmem:s29+$0xA000] =	vst v0;
	s19 =	sor.u32 $0x200, s30  }
0x27: {  	s20 =	sadd.s32 $0x20, s18;
	s18 =	simm.s32 $0x0;
	[tilespmem:s19+$0xA000] =	vst v0;
	s19 =	sor.u32 $0x200, s31  }
0x28: {  	s21 =	sor.u32 $0x200, s20;
	s20 =	simm.s32 $0x40;
	[tilespmem:s19+$0xA000] =	vst v0;
	s19 =	simm.s32 $0x200  }
.LBB2_2:
0x29: {  	s22 =	simm.s32 $0x1  }
0x2a: {  	s23 =	sand.u32 $0x40, s20;
	s24 =	sand.u32 $0x1FC00, s19;
	[tilespmem:s17+$0xA020] =	vst v0;
	s22 =	simm.s32 @!p0 $0x0  }
0x2b: {  	s18 =	sadd.s32 $0x4, s18;
	s17 =	sor.u32 s23, s24;
	s22 =	sshll.u32 s22, $0x6;
	[tilespmem:s21+$0xA000] =	vst v0  }
0x2c: {  	p1 =	slt.u32 s18, $0x27C;
	s21 =	sadd.s32 s22, s19;
	[tilespmem:s17+$0xA100] =	vst v0  }
0x2d: {  	[tilespmem:s17+$0xA080] =	vst v0;
	s22 =	sadd.s32 $0x10, s21;
	s23 =	sadd.s32 $0x20, s21;
	s24 =	sadd.s32 $0x30, s21  }
0x2e: {  	[tilespmem:s17+$0xA000] =	vst v0;
	s22 =	sor.u32 $0x200, s22  }
0x2f: {  	s25 =	sor.u32 $0x200, s21;
	s21 =	sor.u32 $0x200, s23;
	[tilespmem:s17+$0xA180] =	vst v0  }
0x30: {  	s23 =	sor.u32 $0x200, s24;
	[tilespmem:s25+$0xA000] =	vst v0  }
0x31: {  	[tilespmem:s17+$0xA1B0] =	vst v0  }
0x32: {  	[tilespmem:s17+$0xA010] =	vst v0  }
0x33: {  	[tilespmem:s17+$0xA130] =	vst v0  }
0x34: {  	[tilespmem:s17+$0xA090] =	vst v0  }
0x35: {  	[tilespmem:s17+$0xA190] =	vst v0  }
0x36: {  	[tilespmem:s17+$0xA0B0] =	vst v0  }
0x37: {  	[tilespmem:s17+$0xA110] =	vst v0  }
0x38: {  	[tilespmem:s22+$0xA000] =	vst v0  }
.Ltmp2:
0x39: {  	[tilespmem:s17+$0xA1A0] =	vst v0;
	(pc) =	sbr.rel @p1 .LBB2_2-.Ltmp2, $4  }
0x3a: {  	[tilespmem:s17+$0xA030] =	vst v0  }
0x3b: {  	[tilespmem:s23+$0xA000] =	vst v0  }
0x3c: {  	[tilespmem:s17+$0xA120] =	vst v0  }
0x3d: {  	s20 =	sadd.s32 $0x40, s20;
	p0 =	por !p0, !p0;
	s19 =	sadd.s32 $0x200, s19;
	[tilespmem:s17+$0xA0A0] =	vst v0  }
0x3e: {  	[tilespmem:s17+$0xA020] =	vst v0  }
0x3f: {  	s17 =	simm.s32 $0x0;
	[tilespmem:s21+$0xA000] =	vst v0  }
0x40: {  	[tilespmem:s12], [sflag:$0x1] =	stream.linear.gather [hbm4b:s6+s17], $0xF00, $0x38;
	[tilespmem:$0x1FE00] =	vst v63  }
.LBB2_4:
0x41: {  	s18 =	sshll.u32 s17, $0x1  }
0x42: {  	s19 =	sadd.s32 s18, s7  }
0x43: {  	s20 =	smulhi.u32 $0x10624DD3, s19;
	_ =	sdelay $0x1  }
0x44: {  	s20 =	sshrl.u32 s20, $0x4  }
0x45: {  	s20 =	smul.u32 $0xFA, s20;
	_ =	sdelay $0x1  }
0x46: {  	s19 =	ssub.s32 s19, s20  }
0x47: {  	_ =	swait.ge [sflag:s11], $0xF00;
	s19 =	smul.u32 $0x1E0, s19  }
0x48: {  	[sflag:s11] =	ssyncset.done $0x0  }
0x49: {  	[sflag:s11] =	ssyncadd.s32 $0xFFFFF100;
	s19 =	sadd.s32 s2, s19  }
0x4a: {  	[tilespmem:s13], [sflag:$0x2] =	stream.linear.gather [hbm4b:s19+s4], $0xF00, $0x38;
	[tilespmem:$0x1FE00] =	vst v63  }
0x4b: {  	s20 =	simm.s32 $0x1E580;
	s19 =	simm.s32 $0xFFFFFFF0  }
.LBB2_5:
0x4c: {  	v2 =	vld [tilespmem:s20+$0xFFFFFF80];
	_ =	sdelay $0x4  }
0x4d: {  	v3 =	vshll.u32 v2, $0x2  }
0x4e: {  	v2 =	vand.u32 $0x7F, v2;
	v3 =	vand.u32 $0xFFFFFE00, v3  }
0x4f: {  	v4 =	vld [tilespmem:s20+$0xFFFFFA80];
	v2 =	vor.u32 v2, v3  }
0x50: {  	v3 =	vor.u32 $0x80, v2  }
0x51: {  	v5 =	vld [tilespmem:s20+$0x480]  }
0x52: {  	v7 =	vld [tilespmem:s20+$0xFFFFFF90]  }
0x53: {  	v11 =	vld [tilespmem:s20+$0xFFFFFA90]  }
0x54: {  	v9 =	vshll.u32 v4, $0x3;
	v6 =	vor.u32 $0x100, v2;
	v8 =	vld.idx.msk [tilespmem:v2+s4+$0x0], $0xffff  }
0x55: {  	v4 =	vand.u32 $0x7F, v4;
	v9 =	vand.u32 $0xFFFFFC00, v9;
	v2 =	vor.u32 $0x180, v2;
	v3 =	vld.idx.msk [tilespmem:v3+s4+$0x0], $0xffff  }
0x56: {  	v21 =	vld [tilespmem:s20+$0x490];
	v4 =	vor.u32 v4, v9  }
0x57: {  	v12 =	vld [tilespmem:s20+$0xFFFFFFA0];
	v9 =	vor.u32 $0x80, v4  }
0x58: {  	v29 =	vld [tilespmem:s20+$0xFFFFFAA0];
	v10 =	vshll.u32 v7, $0x2  }
0x59: {  	v7 =	vand.u32 $0x7F, v7;
	v10 =	vand.u32 $0xFFFFFE00, v10;
	v6 =	vld.idx.msk [tilespmem:v6+s4+$0x0], $0xffff;
	v8 =	vmul.f32 v8, v5  }
0x5a: {  	v7 =	vor.u32 v7, v10;
	v2 =	vld.idx.msk [tilespmem:v2+s4+$0x0], $0xffff;
	v3 =	vmul.f32 v3, v5  }
0x5b: {  	v20 =	vor.u32 $0x80, v7;
	[tilespmem:v4+s14+$0x0] =	vst.idx.add.f32.msk $0xffff, v8  }
0x5c: {  	[tilespmem:v9+s14+$0x0] =	vst.idx.add.f32.msk $0xffff, v3;
	v3 =	vor.u32 $0x100, v4  }
0x5d: {  	v31 =	vld [tilespmem:s20+$0x4A0];
	v4 =	vor.u32 $0x180, v4  }
0x5e: {  	v32 =	vld [tilespmem:s20+$0xFFFFFFB0];
	v14 =	vshll.u32 v11, $0x3  }
0x5f: {  	v23 =	vand.u32 $0x7F, v11;
	v10 =	vor.u32 $0x100, v7;
	v13 =	vld.idx.msk [tilespmem:v7+s4+$0x0], $0xffff;
	v6 =	vmul.f32 v6, v5  }
0x60: {  	v24 =	vand.u32 $0xFFFFFC00, v14;
	v7 =	vor.u32 $0x180, v7;
	v22 =	vld.idx.msk [tilespmem:v20+s4+$0x0], $0xffff;
	v2 =	vmul.f32 v2, v5  }
0x61: {  	[tilespmem:v3+s14+$0x0] =	vst.idx.add.f32.msk $0xffff, v6;
	v3 =	vor.u32 v23, v24  }
0x62: {  	[tilespmem:v4+s14+$0x0] =	vst.idx.add.f32.msk $0xffff, v2;
	v2 =	vor.u32 $0x80, v3  }
0x63: {  	v41 =	vld [tilespmem:s20+$0xFFFFFAB0];
	v26 =	vshll.u32 v12, $0x2  }
0x64: {  	v28 =	vand.u32 $0x7F, v12;
	v25 =	vld.idx.msk [tilespmem:v10+s4+$0x0], $0xffff;
	v27 =	vmul.f32 v13, v21;
	v6 =	vand.u32 $0xFFFFFE00, v26  }
0x65: {  	v7 =	vld.idx.msk [tilespmem:v7+s4+$0x0], $0xffff;
	v5 =	vmul.f32 v22, v21;
	v6 =	vor.u32 v28, v6  }
0x66: {  	v30 =	vor.u32 $0x80, v6;
	[tilespmem:v3+s14+$0x0] =	vst.idx.add.f32.msk $0xffff, v27  }
0x67: {  	[tilespmem:v2+s14+$0x0] =	vst.idx.add.f32.msk $0xffff, v5;
	v2 =	vor.u32 $0x100, v3  }
0x68: {  	v43 =	vld [tilespmem:s20+$0x4B0];
	v3 =	vor.u32 $0x180, v3  }
0x69: {  	v44 =	vld [tilespmem:s20+$0xFFFFFFC0];
	v34 =	vshll.u32 v29, $0x3  }
0x6a: {  	v35 =	vand.u32 $0x7F, v29;
	v4 =	vmul.f32 v25, v21;
	v10 =	vor.u32 $0x100, v6;
	v33 =	vld.idx.msk [tilespmem:v6+s4+$0x0], $0xffff  }
0x6b: {  	v36 =	vand.u32 $0xFFFFFC00, v34;
	v7 =	vmul.f32 v7, v21;
	v6 =	vor.u32 $0x180, v6;
	v8 =	vld.idx.msk [tilespmem:v30+s4+$0x0], $0xffff  }
0x6c: {  	[tilespmem:v2+s14+$0x0] =	vst.idx.add.f32.msk $0xffff, v4;
	v2 =	vor.u32 v35, v36  }
0x6d: {  	[tilespmem:v3+s14+$0x0] =	vst.idx.add.f32.msk $0xffff, v7;
	v3 =	vor.u32 $0x80, v2  }
0x6e: {  	v54 =	vld [tilespmem:s20+$0xFFFFFAC0];
	v38 =	vshll.u32 v32, $0x2  }
0x6f: {  	v40 =	vand.u32 $0x7F, v32;
	v37 =	vld.idx.msk [tilespmem:v10+s4+$0x0], $0xffff;
	v39 =	vmul.f32 v33, v31;
	v7 =	vand.u32 $0xFFFFFE00, v38  }
0x70: {  	v6 =	vld.idx.msk [tilespmem:v6+s4+$0x0], $0xffff;
	v8 =	vmul.f32 v8, v31;
	v7 =	vor.u32 v40, v7  }
0x71: {  	v42 =	vor.u32 $0x80, v7;
	[tilespmem:v2+s14+$0x0] =	vst.idx.add.f32.msk $0xffff, v39  }
0x72: {  	[tilespmem:v3+s14+$0x0] =	vst.idx.add.f32.msk $0xffff, v8;
	v3 =	vor.u32 $0x100, v2  }
0x73: {  	v56 =	vld [tilespmem:s20+$0x4C0];
	v2 =	vor.u32 $0x180, v2  }
0x74: {  	v57 =	vld [tilespmem:s20+$0xFFFFFFD0];
	v46 =	vshll.u32 v41, $0x3  }
0x75: {  	v48 =	vand.u32 $0x7F, v41;
	v4 =	vmul.f32 v37, v31;
	v10 =	vor.u32 $0x100, v7;
	v45 =	vld.idx.msk [tilespmem:v7+s4+$0x0], $0xffff  }
0x76: {  	v49 =	vand.u32 $0xFFFFFC00, v46;
	v5 =	vmul.f32 v6, v31;
	v7 =	vor.u32 $0x180, v7;
	v47 =	vld.idx.msk [tilespmem:v42+s4+$0x0], $0xffff  }
0x77: {  	[tilespmem:v3+s14+$0x0] =	vst.idx.add.f32.msk $0xffff, v4;
	v3 =	vor.u32 v48, v49  }
0x78: {  	[tilespmem:v2+s14+$0x0] =	vst.idx.add.f32.msk $0xffff, v5;
	v2 =	vor.u32 $0x80, v3  }
0x79: {  	v19 =	vld [tilespmem:s20+$0xFFFFFAD0];
	v51 =	vshll.u32 v44, $0x2  }
0x7a: {  	v53 =	vand.u32 $0x7F, v44;
	v50 =	vld.idx.msk [tilespmem:v10+s4+$0x0], $0xffff;
	v52 =	vmul.f32 v45, v43;
	v5 =	vand.u32 $0xFFFFFE00, v51  }
0x7b: {  	v7 =	vld.idx.msk [tilespmem:v7+s4+$0x0], $0xffff;
	v6 =	vmul.f32 v47, v43;
	v5 =	vor.u32 v53, v5  }
0x7c: {  	v55 =	vor.u32 $0x80, v5;
	[tilespmem:v3+s14+$0x0] =	vst.idx.add.f32.msk $0xffff, v52  }
0x7d: {  	[tilespmem:v2+s14+$0x0] =	vst.idx.add.f32.msk $0xffff, v6;
	v2 =	vor.u32 $0x100, v3  }
0x7e: {  	v32 =	vld [tilespmem:s20+$0xFFFFFAE0];
	v3 =	vor.u32 $0x180, v3  }
0x7f: {  	v59 =	vshll.u32 v54, $0x3;
	v34 =	vld [tilespmem:s20+$0x4E0]  }
0x80: {  	v61 =	vand.u32 $0x7F, v54;
	v4 =	vmul.f32 v50, v43;
	v10 =	vor.u32 $0x100, v5;
	v58 =	vld.idx.msk [tilespmem:v5+s4+$0x0], $0xffff  }
0x81: {  	v62 =	vand.u32 $0xFFFFFC00, v59;
	v7 =	vmul.f32 v7, v43;
	v5 =	vor.u32 $0x180, v5;
	v60 =	vld.idx.msk [tilespmem:v55+s4+$0x0], $0xffff  }
0x82: {  	[tilespmem:v2+s14+$0x0] =	vst.idx.add.f32.msk $0xffff, v4;
	v2 =	vor.u32 v61, v62  }
0x83: {  	[tilespmem:v3+s14+$0x0] =	vst.idx.add.f32.msk $0xffff, v7;
	v3 =	vor.u32 $0x80, v2  }
0x84: {  	v16 =	vshll.u32 v57, $0x2;
	v22 =	vld [tilespmem:s20+$0xFFFFFFE0]  }
0x85: {  	v18 =	vand.u32 $0x7F, v57;
	v63 =	vld.idx.msk [tilespmem:v10+s4+$0x0], $0xffff;
	v17 =	vmul.f32 v58, v56;
	v7 =	vand.u32 $0xFFFFFE00, v16  }
0x86: {  	v5 =	vld.idx.msk [tilespmem:v5+s4+$0x0], $0xffff;
	v8 =	vmul.f32 v60, v56;
	v7 =	vor.u32 v18, v7  }
0x87: {  	v20 =	vor.u32 $0x80, v7;
	[tilespmem:v2+s14+$0x0] =	vst.idx.add.f32.msk $0xffff, v17  }
0x88: {  	[tilespmem:v3+s14+$0x0] =	vst.idx.add.f32.msk $0xffff, v8;
	v3 =	vor.u32 $0x100, v2  }
0x89: {  	v21 =	vld [tilespmem:s20+$0x4D0];
	v2 =	vor.u32 $0x180, v2  }
0x8a: {  	v24 =	vshll.u32 v19, $0x3;
	v35 =	vld [tilespmem:s20+$0xFFFFFFF0]  }
0x8b: {  	v26 =	vand.u32 $0x7F, v19;
	v4 =	vmul.f32 v63, v56;
	v10 =	vor.u32 $0x100, v7;
	v23 =	vld.idx.msk [tilespmem:v7+s4+$0x0], $0xffff  }
0x8c: {  	v27 =	vand.u32 $0xFFFFFC00, v24;
	v5 =	vmul.f32 v5, v56;
	v7 =	vor.u32 $0x180, v7;
	v25 =	vld.idx.msk [tilespmem:v20+s4+$0x0], $0xffff  }
0x8d: {  	[tilespmem:v3+s14+$0x0] =	vst.idx.add.f32.msk $0xffff, v4;
	v3 =	vor.u32 v26, v27  }
0x8e: {  	[tilespmem:v2+s14+$0x0] =	vst.idx.add.f32.msk $0xffff, v5;
	v2 =	vor.u32 $0x80, v3  }
0x8f: {  	v29 =	vshll.u32 v22, $0x2;
	v48 =	vld [tilespmem:s20+$0x0]  }
0x90: {  	v31 =	vand.u32 $0x7F, v22;
	v28 =	vld.idx.msk [tilespmem:v10+s4+$0x0], $0xffff;
	v30 =	vmul.f32 v23, v21;
	v5 =	vand.u32 $0xFFFFFE00, v29  }
0x91: {  	v7 =	vld.idx.msk [tilespmem:v7+s4+$0x0], $0xffff;
	v6 =	vmul.f32 v25, v21;
	v5 =	vor.u32 v31, v5  }
0x92: {  	v33 =	vor.u32 $0x80, v5;
	[tilespmem:v3+s14+$0x0] =	vst.idx.add.f32.msk $0xffff, v30  }
0x93: {  	[tilespmem:v2+s14+$0x0] =	vst.idx.add.f32.msk $0xffff, v6;
	v2 =	vor.u32 $0x100, v3  }
0x94: {  	v45 =	vld [tilespmem:s20+$0xFFFFFAF0];
	v3 =	vor.u32 $0x180, v3  }
0x95: {  	v37 =	vshll.u32 v32, $0x3;
	v47 =	vld [tilespmem:s20+$0x4F0]  }
0x96: {  	v40 =	vand.u32 $0xFFFFFC00, v37;
	v4 =	vmul.f32 v28, v21;
	v10 =	vor.u32 $0x100, v5;
	v36 =	vld.idx.msk [tilespmem:v5+s4+$0x0], $0xffff  }
0x97: {  	v39 =	vand.u32 $0x7F, v32;
	v7 =	vmul.f32 v7, v21;
	v5 =	vor.u32 $0x180, v5;
	v38 =	vld.idx.msk [tilespmem:v33+s4+$0x0], $0xffff  }
0x98: {  	[tilespmem:v2+s14+$0x0] =	vst.idx.add.f32.msk $0xffff, v4;
	v2 =	vor.u32 v39, v40  }
0x99: {  	[tilespmem:v3+s14+$0x0] =	vst.idx.add.f32.msk $0xffff, v7;
	v3 =	vor.u32 $0x80, v2  }
0x9a: {  	v42 =	vshll.u32 v35, $0x2;
	v61 =	vld [tilespmem:s20+$0x10]  }
0x9b: {  	v44 =	vand.u32 $0x7F, v35;
	v41 =	vld.idx.msk [tilespmem:v10+s4+$0x0], $0xffff;
	v43 =	vmul.f32 v36, v34;
	v7 =	vand.u32 $0xFFFFFE00, v42  }
0x9c: {  	v5 =	vld.idx.msk [tilespmem:v5+s4+$0x0], $0xffff;
	v8 =	vmul.f32 v38, v34;
	v7 =	vor.u32 v44, v7  }
0x9d: {  	v46 =	vor.u32 $0x80, v7;
	[tilespmem:v2+s14+$0x0] =	vst.idx.add.f32.msk $0xffff, v43  }
0x9e: {  	[tilespmem:v3+s14+$0x0] =	vst.idx.add.f32.msk $0xffff, v8;
	v3 =	vor.u32 $0x100, v2  }
0x9f: {  	v58 =	vld [tilespmem:s20+$0xFFFFFB00];
	v2 =	vor.u32 $0x180, v2  }
0xa0: {  	v50 =	vshll.u32 v45, $0x3;
	v60 =	vld [tilespmem:s20+$0x500]  }
0xa1: {  	v52 =	vand.u32 $0x7F, v45;
	v4 =	vmul.f32 v41, v34;
	v10 =	vor.u32 $0x100, v7;
	v49 =	vld.idx.msk [tilespmem:v7+s4+$0x0], $0xffff  }
0xa2: {  	v53 =	vand.u32 $0xFFFFFC00, v50;
	v5 =	vmul.f32 v5, v34;
	v7 =	vor.u32 $0x180, v7;
	v51 =	vld.idx.msk [tilespmem:v46+s4+$0x0], $0xffff  }
0xa3: {  	[tilespmem:v3+s14+$0x0] =	vst.idx.add.f32.msk $0xffff, v4;
	v3 =	vor.u32 v52, v53  }
0xa4: {  	[tilespmem:v2+s14+$0x0] =	vst.idx.add.f32.msk $0xffff, v5;
	v2 =	vor.u32 $0x80, v3  }
0xa5: {  	v55 =	vshll.u32 v48, $0x2;
	v26 =	vld [tilespmem:s20+$0x20]  }
0xa6: {  	v57 =	vand.u32 $0x7F, v48;
	v54 =	vld.idx.msk [tilespmem:v10+s4+$0x0], $0xffff;
	v56 =	vmul.f32 v49, v47;
	v5 =	vand.u32 $0xFFFFFE00, v55  }
0xa7: {  	v7 =	vld.idx.msk [tilespmem:v7+s4+$0x0], $0xffff;
	v6 =	vmul.f32 v51, v47;
	v5 =	vor.u32 v57, v5  }
0xa8: {  	v59 =	vor.u32 $0x80, v5;
	[tilespmem:v3+s14+$0x0] =	vst.idx.add.f32.msk $0xffff, v56  }
0xa9: {  	[tilespmem:v2+s14+$0x0] =	vst.idx.add.f32.msk $0xffff, v6;
	v2 =	vor.u32 $0x100, v3  }
0xaa: {  	v23 =	vld [tilespmem:s20+$0xFFFFFB10];
	v3 =	vor.u32 $0x180, v3  }
0xab: {  	v63 =	vshll.u32 v58, $0x3;
	v25 =	vld [tilespmem:s20+$0x510]  }
0xac: {  	v17 =	vand.u32 $0x7F, v58;
	v4 =	vmul.f32 v54, v47;
	v10 =	vor.u32 $0x100, v5;
	v62 =	vld.idx.msk [tilespmem:v5+s4+$0x0], $0xffff  }
0xad: {  	v18 =	vand.u32 $0xFFFFFC00, v63;
	v7 =	vmul.f32 v7, v47;
	v5 =	vor.u32 $0x180, v5;
	v16 =	vld.idx.msk [tilespmem:v59+s4+$0x0], $0xffff  }
0xae: {  	[tilespmem:v2+s14+$0x0] =	vst.idx.add.f32.msk $0xffff, v4;
	v2 =	vor.u32 v17, v18  }
0xaf: {  	[tilespmem:v3+s14+$0x0] =	vst.idx.add.f32.msk $0xffff, v7;
	v3 =	vor.u32 $0x80, v2  }
0xb0: {  	v20 =	vshll.u32 v61, $0x2;
	v39 =	vld [tilespmem:s20+$0x30]  }
0xb1: {  	v22 =	vand.u32 $0x7F, v61;
	v19 =	vld.idx.msk [tilespmem:v10+s4+$0x0], $0xffff;
	v21 =	vmul.f32 v62, v60;
	v7 =	vand.u32 $0xFFFFFE00, v20  }
0xb2: {  	v5 =	vld.idx.msk [tilespmem:v5+s4+$0x0], $0xffff;
	v8 =	vmul.f32 v16, v60;
	v7 =	vor.u32 v22, v7  }
0xb3: {  	v24 =	vor.u32 $0x80, v7;
	[tilespmem:v2+s14+$0x0] =	vst.idx.add.f32.msk $0xffff, v21  }
0xb4: {  	[tilespmem:v3+s14+$0x0] =	vst.idx.add.f32.msk $0xffff, v8;
	v3 =	vor.u32 $0x100, v2  }
0xb5: {  	v36 =	vld [tilespmem:s20+$0xFFFFFB20];
	v2 =	vor.u32 $0x180, v2  }
0xb6: {  	v28 =	vshll.u32 v23, $0x3;
	v38 =	vld [tilespmem:s20+$0x520]  }
0xb7: {  	v30 =	vand.u32 $0x7F, v23;
	v4 =	vmul.f32 v19, v60;
	v10 =	vor.u32 $0x100, v7;
	v27 =	vld.idx.msk [tilespmem:v7+s4+$0x0], $0xffff  }
0xb8: {  	v31 =	vand.u32 $0xFFFFFC00, v28;
	v5 =	vmul.f32 v5, v60;
	v7 =	vor.u32 $0x180, v7;
	v29 =	vld.idx.msk [tilespmem:v24+s4+$0x0], $0xffff  }
0xb9: {  	[tilespmem:v3+s14+$0x0] =	vst.idx.add.f32.msk $0xffff, v4;
	v3 =	vor.u32 v30, v31  }
0xba: {  	v41 =	vshll.u32 v36, $0x3;
	[tilespmem:v2+s14+$0x0] =	vst.idx.add.f32.msk $0xffff, v5;
	v2 =	vor.u32 $0x80, v3  }
0xbb: {  	v33 =	vshll.u32 v26, $0x2;
	v44 =	vand.u32 $0xFFFFFC00, v41;
	v41 =	vld [tilespmem:s20+$0x70]  }
0xbc: {  	v35 =	vand.u32 $0x7F, v26;
	v32 =	vld.idx.msk [tilespmem:v10+s4+$0x0], $0xffff;
	v34 =	vmul.f32 v27, v25;
	v5 =	vand.u32 $0xFFFFFE00, v33  }
0xbd: {  	v7 =	vld.idx.msk [tilespmem:v7+s4+$0x0], $0xffff;
	v6 =	vmul.f32 v29, v25;
	v5 =	vor.u32 v35, v5  }
0xbe: {  	v37 =	vor.u32 $0x80, v5;
	[tilespmem:v3+s14+$0x0] =	vst.idx.add.f32.msk $0xffff, v34  }
0xbf: {  	[tilespmem:v2+s14+$0x0] =	vst.idx.add.f32.msk $0xffff, v6;
	v2 =	vor.u32 $0x100, v3  }
0xc0: {  	v48 =	vand.u32 $0x7F, v39;
	v46 =	vshll.u32 v39, $0x2;
	v39 =	vld [tilespmem:s20+$0xFFFFFB60];
	v3 =	vor.u32 $0x180, v3  }
0xc1: {  	v52 =	vld [tilespmem:s20+$0x40]  }
0xc2: {  	v4 =	vmul.f32 v32, v25;
	v10 =	vor.u32 $0x100, v5;
	v40 =	vld.idx.msk [tilespmem:v5+s4+$0x0], $0xffff  }
0xc3: {  	v43 =	vand.u32 $0x7F, v36;
	v7 =	vmul.f32 v7, v25;
	v5 =	vor.u32 $0x180, v5;
	v42 =	vld.idx.msk [tilespmem:v37+s4+$0x0], $0xffff  }
0xc4: {  	[tilespmem:v2+s14+$0x0] =	vst.idx.add.f32.msk $0xffff, v4;
	v2 =	vor.u32 v43, v44  }
0xc5: {  	[tilespmem:v3+s14+$0x0] =	vst.idx.add.f32.msk $0xffff, v7;
	v3 =	vor.u32 $0x80, v2  }
0xc6: {  	v49 =	vld [tilespmem:s20+$0xFFFFFB30]  }
0xc7: {  	v45 =	vld.idx.msk [tilespmem:v10+s4+$0x0], $0xffff;
	v47 =	vmul.f32 v40, v38;
	v7 =	vand.u32 $0xFFFFFE00, v46  }
0xc8: {  	v5 =	vld.idx.msk [tilespmem:v5+s4+$0x0], $0xffff;
	v8 =	vmul.f32 v42, v38;
	v7 =	vor.u32 v48, v7  }
0xc9: {  	v50 =	vor.u32 $0x80, v7;
	[tilespmem:v2+s14+$0x0] =	vst.idx.add.f32.msk $0xffff, v47  }
0xca: {  	[tilespmem:v3+s14+$0x0] =	vst.idx.add.f32.msk $0xffff, v8;
	v3 =	vor.u32 $0x100, v2  }
0xcb: {  	v51 =	vld [tilespmem:s20+$0x530];
	v2 =	vor.u32 $0x180, v2  }
0xcc: {  	v54 =	vshll.u32 v49, $0x3;
	v17 =	vld [tilespmem:s20+$0x50]  }
0xcd: {  	v56 =	vand.u32 $0x7F, v49;
	v4 =	vmul.f32 v45, v38;
	v10 =	vor.u32 $0x100, v7;
	v53 =	vld.idx.msk [tilespmem:v7+s4+$0x0], $0xffff  }
0xce: {  	v57 =	vand.u32 $0xFFFFFC00, v54;
	v5 =	vmul.f32 v5, v38;
	v7 =	vor.u32 $0x180, v7;
	v55 =	vld.idx.msk [tilespmem:v50+s4+$0x0], $0xffff  }
0xcf: {  	[tilespmem:v3+s14+$0x0] =	vst.idx.add.f32.msk $0xffff, v4;
	v3 =	vor.u32 v56, v57  }
0xd0: {  	[tilespmem:v2+s14+$0x0] =	vst.idx.add.f32.msk $0xffff, v5;
	v2 =	vor.u32 $0x80, v3  }
0xd1: {  	v59 =	vshll.u32 v52, $0x2;
	v62 =	vld [tilespmem:s20+$0xFFFFFB40]  }
0xd2: {  	v61 =	vand.u32 $0x7F, v52;
	v58 =	vld.idx.msk [tilespmem:v10+s4+$0x0], $0xffff;
	v60 =	vmul.f32 v53, v51;
	v5 =	vand.u32 $0xFFFFFE00, v59  }
0xd3: {  	v7 =	vld.idx.msk [tilespmem:v7+s4+$0x0], $0xffff;
	v6 =	vmul.f32 v55, v51;
	v5 =	vor.u32 v61, v5  }
0xd4: {  	v63 =	vor.u32 $0x80, v5;
	[tilespmem:v3+s14+$0x0] =	vst.idx.add.f32.msk $0xffff, v60  }
0xd5: {  	[tilespmem:v2+s14+$0x0] =	vst.idx.add.f32.msk $0xffff, v6;
	v2 =	vor.u32 $0x100, v3  }
0xd6: {  	v16 =	vld [tilespmem:s20+$0x540];
	v3 =	vor.u32 $0x180, v3  }
0xd7: {  	v30 =	vld [tilespmem:s20+$0x60];
	v10 =	vor.u32 $0x100, v5  }
0xd8: {  	v19 =	vshll.u32 v62, $0x3;
	v4 =	vmul.f32 v58, v51;
	v18 =	vld.idx.msk [tilespmem:v5+s4+$0x0], $0xffff;
	v5 =	vor.u32 $0x180, v5  }
0xd9: {  	v21 =	vand.u32 $0x7F, v62;
	v22 =	vand.u32 $0xFFFFFC00, v19;
	v7 =	vmul.f32 v7, v51;
	v20 =	vld.idx.msk [tilespmem:v63+s4+$0x0], $0xffff  }
0xda: {  	[tilespmem:v2+s14+$0x0] =	vst.idx.add.f32.msk $0xffff, v4;
	v2 =	vor.u32 v21, v22  }
0xdb: {  	v24 =	vshll.u32 v17, $0x2;
	[tilespmem:v3+s14+$0x0] =	vst.idx.add.f32.msk $0xffff, v7;
	v3 =	vor.u32 $0x80, v2  }
0xdc: {  	v26 =	vand.u32 $0x7F, v17;
	v23 =	vld.idx.msk [tilespmem:v10+s4+$0x0], $0xffff;
	v7 =	vand.u32 $0xFFFFFE00, v24  }
0xdd: {  	v25 =	vmul.f32 v18, v16;
	v5 =	vld.idx.msk [tilespmem:v5+s4+$0x0], $0xffff;
	v7 =	vor.u32 v26, v7  }
0xde: {  	v27 =	vld [tilespmem:s20+$0xFFFFFB50];
	v28 =	vor.u32 $0x100, v2;
	v8 =	vmul.f32 v20, v16  }
0xdf: {  	[tilespmem:v2+s14+$0x0] =	vst.idx.add.f32.msk $0xffff, v25;
	v2 =	vor.u32 $0x180, v2  }
0xe0: {  	[tilespmem:v3+s14+$0x0] =	vst.idx.add.f32.msk $0xffff, v8;
	v3 =	vor.u32 $0x80, v7  }
0xe1: {  	v29 =	vld [tilespmem:s20+$0x550];
	v4 =	vmul.f32 v23, v16;
	v10 =	vor.u32 $0x100, v7  }
0xe2: {  	v5 =	vmul.f32 v5, v16;
	v31 =	vld.idx.msk [tilespmem:v7+s4+$0x0], $0xffff  }
0xe3: {  	v36 =	vshll.u32 v30, $0x2;
	v32 =	vshll.u32 v27, $0x3;
	[tilespmem:v28+s14+$0x0] =	vst.idx.add.f32.msk $0xffff, v4  }
0xe4: {  	v38 =	vand.u32 $0x7F, v30;
	v6 =	vand.u32 $0xFFFFFE00, v36;
	v7 =	vor.u32 $0x180, v7;
	[tilespmem:v2+s14+$0x0] =	vst.idx.add.f32.msk $0xffff, v5  }
0xe5: {  	v33 =	vand.u32 $0x7F, v27;
	v34 =	vand.u32 $0xFFFFFC00, v32;
	v6 =	vor.u32 v38, v6;
	v3 =	vld.idx.msk [tilespmem:v3+s4+$0x0], $0xffff  }
0xe6: {  	v4 =	vor.u32 v33, v34;
	v2 =	vld.idx.msk [tilespmem:v10+s4+$0x0], $0xffff  }
0xe7: {  	v42 =	vld [tilespmem:s20+$0x560];
	v35 =	vor.u32 $0x80, v4  }
0xe8: {  	v58 =	vld [tilespmem:s20+$0x570];
	v40 =	vor.u32 $0x100, v4  }
0xe9: {  	v37 =	vmul.f32 v31, v29;
	v7 =	vld.idx.msk [tilespmem:v7+s4+$0x0], $0xffff  }
0xea: {  	v44 =	vor.u32 $0x100, v6;
	v43 =	vld.idx.msk [tilespmem:v6+s4+$0x0], $0xffff;
	v3 =	vmul.f32 v3, v29  }
0xeb: {  	v45 =	vshll.u32 v39, $0x3;
	[tilespmem:v4+s14+$0x0] =	vst.idx.add.f32.msk $0xffff, v37;
	v4 =	vor.u32 $0x180, v4;
	v2 =	vmul.f32 v2, v29  }
0xec: {  	v46 =	vand.u32 $0x7F, v39;
	v47 =	vand.u32 $0xFFFFFC00, v45;
	[tilespmem:v35+s14+$0x0] =	vst.idx.add.f32.msk $0xffff, v3;
	v3 =	vor.u32 $0x80, v6  }
0xed: {  	v49 =	vshll.u32 v41, $0x2;
	v48 =	vor.u32 v46, v47;
	[tilespmem:v40+s14+$0x0] =	vst.idx.add.f32.msk $0xffff, v2;
	v2 =	vor.u32 $0x180, v6  }
0xee: {  	v50 =	vand.u32 $0x7F, v41;
	v51 =	vld [tilespmem:s20+$0xFFFFFB70];
	v7 =	vmul.f32 v7, v29;
	v6 =	vand.u32 $0xFFFFFE00, v49  }
0xef: {  	v53 =	vld.idx.msk [tilespmem:v44+s4+$0x0], $0xffff;
	v6 =	vor.u32 v50, v6  }
0xf0: {  	[tilespmem:v4+s14+$0x0] =	vst.idx.add.f32.msk $0xffff, v7;
	v54 =	vor.u32 $0x80, v6  }
0xf1: {  	v52 =	vmul.f32 v43, v42;
	v55 =	vor.u32 $0x100, v6;
	v3 =	vld.idx.msk [tilespmem:v3+s4+$0x0], $0xffff  }
0xf2: {  	v56 =	vor.u32 $0x180, v6;
	v2 =	vld.idx.msk [tilespmem:v2+s4+$0x0], $0xffff  }
0xf3: {  	v57 =	vor.u32 $0x80, v48;
	[tilespmem:v48+s14+$0x0] =	vst.idx.add.f32.msk $0xffff, v52  }
0xf4: {  	v59 =	vor.u32 $0x100, v48;
	v15 =	vshll.u32 v51, $0x3;
	v6 =	vld.idx.msk [tilespmem:v6+s4+$0x0], $0xffff  }
0xf5: {  	v9 =	vand.u32 $0x7F, v51;
	v15 =	vand.u32 $0xFFFFFC00, v15;
	v4 =	vor.u32 $0x180, v48;
	v10 =	vld.idx.msk [tilespmem:v54+s4+$0x0], $0xffff  }
0xf6: {  	v9 =	vor.u32 v9, v15;
	v11 =	vld.idx.msk [tilespmem:v55+s4+$0x0], $0xffff;
	v3 =	vmul.f32 v3, v42  }
0xf7: {  	v15 =	vor.u32 $0x80, v9;
	v8 =	vmul.f32 v53, v42;
	v7 =	vld.idx.msk [tilespmem:v56+s4+$0x0], $0xffff  }
0xf8: {  	s19 =	sadd.s32 $0x10, s19;
	v2 =	vmul.f32 v2, v42;
	[tilespmem:v57+s14+$0x0] =	vst.idx.add.f32.msk $0xffff, v3;
	v3 =	vor.u32 $0x100, v9  }
0xf9: {  	p0 =	slt.u32 s19, $0x40;
	v61 =	vor.u32 $0x180, v9;
	v60 =	vmul.f32 v6, v58;
	[tilespmem:v59+s14+$0x0] =	vst.idx.add.f32.msk $0xffff, v8  }
.Ltmp3:
0xfa: {  	[tilespmem:v4+s14+$0x0] =	vst.idx.add.f32.msk $0xffff, v2;
	v2 =	vmul.f32 v10, v58;
	(pc) =	sbr.rel @p0 .LBB2_5-.Ltmp3, $4  }
0xfb: {  	v62 =	vmul.f32 v11, v58;
	[tilespmem:v9+s14+$0x0] =	vst.idx.add.f32.msk $0xffff, v60  }
0xfc: {  	v63 =	vmul.f32 v7, v58;
	[tilespmem:v15+s14+$0x0] =	vst.idx.add.f32.msk $0xffff, v2  }
0xfd: {  	[tilespmem:v3+s14+$0x0] =	vst.idx.add.f32.msk $0xffff, v62  }
0xfe: {  	s20 =	sadd.s32 $0x100, s20;
	[tilespmem:v61+s14+$0x0] =	vst.idx.add.f32.msk $0xffff, v63  }
0xff: {  	s18 =	sadd.s32 $0x2, s18  }
0x100: {  	p0 =	seq.s32 s18, $0xFA  }
0x101: {  	s18 =	simm.s32 @p0 $0x0  }
0x102: {  	s18 =	sadd.s32 s3, s18  }
0x103: {  	s19 =	smulhi.u32 $0x10624DD3, s18;
	_ =	sdelay $0x1  }
0x104: {  	s19 =	sshrl.u32 s19, $0x4  }
0x105: {  	s19 =	smul.u32 $0xFA, s19;
	_ =	sdelay $0x1  }
0x106: {  	s18 =	ssub.s32 s18, s19  }
0x107: {  	_ =	swait.ge [sflag:s15], $0xF00;
	s18 =	smul.u32 $0x1E0, s18  }
0x108: {  	[sflag:s15] =	ssyncset.done $0x0  }
0x109: {  	[sflag:s15] =	ssyncadd.s32 $0xFFFFF100;
	s18 =	sadd.s32 s2, s18  }
0x10a: {  	[tilespmem:s12], [sflag:$0x1] =	stream.linear.gather [hbm4b:s18+s4], $0xF00, $0x38;
	[tilespmem:$0x1FE00] =	vst v63  }
0x10b: {  	s19 =	simm.s32 $0x1F480;
	s18 =	simm.s32 $0xFFFFFFF0  }
.LBB2_7:
0x10c: {  	v2 =	vld [tilespmem:s19+$0xFFFFFF80];
	_ =	sdelay $0x4  }
0x10d: {  	v3 =	vshll.u32 v2, $0x2  }
0x10e: {  	v2 =	vand.u32 $0x7F, v2;
	v3 =	vand.u32 $0xFFFFFE00, v3  }
0x10f: {  	v4 =	vld [tilespmem:s19+$0xFFFFFA80];
	v2 =	vor.u32 v2, v3  }
0x110: {  	v3 =	vor.u32 $0x80, v2  }
0x111: {  	v5 =	vld [tilespmem:s19+$0x480]  }
0x112: {  	v7 =	vld [tilespmem:s19+$0xFFFFFF90]  }
0x113: {  	v11 =	vld [tilespmem:s19+$0xFFFFFA90]  }
0x114: {  	v9 =	vshll.u32 v4, $0x3;
	v6 =	vor.u32 $0x100, v2;
	v8 =	vld.idx.msk [tilespmem:v2+s4+$0x0], $0xffff  }
0x115: {  	v4 =	vand.u32 $0x7F, v4;
	v9 =	vand.u32 $0xFFFFFC00, v9;
	v2 =	vor.u32 $0x180, v2;
	v3 =	vld.idx.msk [tilespmem:v3+s4+$0x0], $0xffff  }
0x116: {  	v21 =	vld [tilespmem:s19+$0x490];
	v4 =	vor.u32 v4, v9  }
0x117: {  	v12 =	vld [tilespmem:s19+$0xFFFFFFA0];
	v9 =	vor.u32 $0x80, v4  }
0x118: {  	v29 =	vld [tilespmem:s19+$0xFFFFFAA0];
	v10 =	vshll.u32 v7, $0x2  }
0x119: {  	v7 =	vand.u32 $0x7F, v7;
	v10 =	vand.u32 $0xFFFFFE00, v10;
	v6 =	vld.idx.msk [tilespmem:v6+s4+$0x0], $0xffff;
	v8 =	vmul.f32 v8, v5  }
0x11a: {  	v7 =	vor.u32 v7, v10;
	v2 =	vld.idx.msk [tilespmem:v2+s4+$0x0], $0xffff;
	v3 =	vmul.f32 v3, v5  }
0x11b: {  	v20 =	vor.u32 $0x80, v7;
	[tilespmem:v4+s14+$0x0] =	vst.idx.add.f32.msk $0xffff, v8  }
0x11c: {  	[tilespmem:v9+s14+$0x0] =	vst.idx.add.f32.msk $0xffff, v3;
	v3 =	vor.u32 $0x100, v4  }
0x11d: {  	v31 =	vld [tilespmem:s19+$0x4A0];
	v4 =	vor.u32 $0x180, v4  }
0x11e: {  	v32 =	vld [tilespmem:s19+$0xFFFFFFB0];
	v14 =	vshll.u32 v11, $0x3  }
0x11f: {  	v23 =	vand.u32 $0x7F, v11;
	v10 =	vor.u32 $0x100, v7;
	v13 =	vld.idx.msk [tilespmem:v7+s4+$0x0], $0xffff;
	v6 =	vmul.f32 v6, v5  }
0x120: {  	v24 =	vand.u32 $0xFFFFFC00, v14;
	v7 =	vor.u32 $0x180, v7;
	v22 =	vld.idx.msk [tilespmem:v20+s4+$0x0], $0xffff;
	v2 =	vmul.f32 v2, v5  }
0x121: {  	[tilespmem:v3+s14+$0x0] =	vst.idx.add.f32.msk $0xffff, v6;
	v3 =	vor.u32 v23, v24  }
0x122: {  	[tilespmem:v4+s14+$0x0] =	vst.idx.add.f32.msk $0xffff, v2;
	v2 =	vor.u32 $0x80, v3  }
0x123: {  	v41 =	vld [tilespmem:s19+$0xFFFFFAB0];
	v26 =	vshll.u32 v12, $0x2  }
0x124: {  	v28 =	vand.u32 $0x7F, v12;
	v25 =	vld.idx.msk [tilespmem:v10+s4+$0x0], $0xffff;
	v27 =	vmul.f32 v13, v21;
	v6 =	vand.u32 $0xFFFFFE00, v26  }
0x125: {  	v7 =	vld.idx.msk [tilespmem:v7+s4+$0x0], $0xffff;
	v5 =	vmul.f32 v22, v21;
	v6 =	vor.u32 v28, v6  }
0x126: {  	v30 =	vor.u32 $0x80, v6;
	[tilespmem:v3+s14+$0x0] =	vst.idx.add.f32.msk $0xffff, v27  }
0x127: {  	[tilespmem:v2+s14+$0x0] =	vst.idx.add.f32.msk $0xffff, v5;
	v2 =	vor.u32 $0x100, v3  }
0x128: {  	v43 =	vld [tilespmem:s19+$0x4B0];
	v3 =	vor.u32 $0x180, v3  }
0x129: {  	v44 =	vld [tilespmem:s19+$0xFFFFFFC0];
	v34 =	vshll.u32 v29, $0x3  }
0x12a: {  	v35 =	vand.u32 $0x7F, v29;
	v4 =	vmul.f32 v25, v21;
	v10 =	vor.u32 $0x100, v6;
	v33 =	vld.idx.msk [tilespmem:v6+s4+$0x0], $0xffff  }
0x12b: {  	v36 =	vand.u32 $0xFFFFFC00, v34;
	v7 =	vmul.f32 v7, v21;
	v6 =	vor.u32 $0x180, v6;
	v8 =	vld.idx.msk [tilespmem:v30+s4+$0x0], $0xffff  }
0x12c: {  	[tilespmem:v2+s14+$0x0] =	vst.idx.add.f32.msk $0xffff, v4;
	v2 =	vor.u32 v35, v36  }
0x12d: {  	[tilespmem:v3+s14+$0x0] =	vst.idx.add.f32.msk $0xffff, v7;
	v3 =	vor.u32 $0x80, v2  }
0x12e: {  	v54 =	vld [tilespmem:s19+$0xFFFFFAC0];
	v38 =	vshll.u32 v32, $0x2  }
0x12f: {  	v40 =	vand.u32 $0x7F, v32;
	v37 =	vld.idx.msk [tilespmem:v10+s4+$0x0], $0xffff;
	v39 =	vmul.f32 v33, v31;
	v7 =	vand.u32 $0xFFFFFE00, v38  }
0x130: {  	v6 =	vld.idx.msk [tilespmem:v6+s4+$0x0], $0xffff;
	v8 =	vmul.f32 v8, v31;
	v7 =	vor.u32 v40, v7  }
0x131: {  	v42 =	vor.u32 $0x80, v7;
	[tilespmem:v2+s14+$0x0] =	vst.idx.add.f32.msk $0xffff, v39  }
0x132: {  	[tilespmem:v3+s14+$0x0] =	vst.idx.add.f32.msk $0xffff, v8;
	v3 =	vor.u32 $0x100, v2  }
0x133: {  	v56 =	vld [tilespmem:s19+$0x4C0];
	v2 =	vor.u32 $0x180, v2  }
0x134: {  	v57 =	vld [tilespmem:s19+$0xFFFFFFD0];
	v46 =	vshll.u32 v41, $0x3  }
0x135: {  	v48 =	vand.u32 $0x7F, v41;
	v4 =	vmul.f32 v37, v31;
	v10 =	vor.u32 $0x100, v7;
	v45 =	vld.idx.msk [tilespmem:v7+s4+$0x0], $0xffff  }
0x136: {  	v49 =	vand.u32 $0xFFFFFC00, v46;
	v5 =	vmul.f32 v6, v31;
	v7 =	vor.u32 $0x180, v7;
	v47 =	vld.idx.msk [tilespmem:v42+s4+$0x0], $0xffff  }
0x137: {  	[tilespmem:v3+s14+$0x0] =	vst.idx.add.f32.msk $0xffff, v4;
	v3 =	vor.u32 v48, v49  }
0x138: {  	[tilespmem:v2+s14+$0x0] =	vst.idx.add.f32.msk $0xffff, v5;
	v2 =	vor.u32 $0x80, v3  }
0x139: {  	v19 =	vld [tilespmem:s19+$0xFFFFFAD0];
	v51 =	vshll.u32 v44, $0x2  }
0x13a: {  	v53 =	vand.u32 $0x7F, v44;
	v50 =	vld.idx.msk [tilespmem:v10+s4+$0x0], $0xffff;
	v52 =	vmul.f32 v45, v43;
	v5 =	vand.u32 $0xFFFFFE00, v51  }
0x13b: {  	v7 =	vld.idx.msk [tilespmem:v7+s4+$0x0], $0xffff;
	v6 =	vmul.f32 v47, v43;
	v5 =	vor.u32 v53, v5  }
0x13c: {  	v55 =	vor.u32 $0x80, v5;
	[tilespmem:v3+s14+$0x0] =	vst.idx.add.f32.msk $0xffff, v52  }
0x13d: {  	[tilespmem:v2+s14+$0x0] =	vst.idx.add.f32.msk $0xffff, v6;
	v2 =	vor.u32 $0x100, v3  }
0x13e: {  	v32 =	vld [tilespmem:s19+$0xFFFFFAE0];
	v3 =	vor.u32 $0x180, v3  }
0x13f: {  	v59 =	vshll.u32 v54, $0x3;
	v34 =	vld [tilespmem:s19+$0x4E0]  }
0x140: {  	v61 =	vand.u32 $0x7F, v54;
	v4 =	vmul.f32 v50, v43;
	v10 =	vor.u32 $0x100, v5;
	v58 =	vld.idx.msk [tilespmem:v5+s4+$0x0], $0xffff  }
0x141: {  	v62 =	vand.u32 $0xFFFFFC00, v59;
	v7 =	vmul.f32 v7, v43;
	v5 =	vor.u32 $0x180, v5;
	v60 =	vld.idx.msk [tilespmem:v55+s4+$0x0], $0xffff  }
0x142: {  	[tilespmem:v2+s14+$0x0] =	vst.idx.add.f32.msk $0xffff, v4;
	v2 =	vor.u32 v61, v62  }
0x143: {  	[tilespmem:v3+s14+$0x0] =	vst.idx.add.f32.msk $0xffff, v7;
	v3 =	vor.u32 $0x80, v2  }
0x144: {  	v16 =	vshll.u32 v57, $0x2;
	v22 =	vld [tilespmem:s19+$0xFFFFFFE0]  }
0x145: {  	v18 =	vand.u32 $0x7F, v57;
	v63 =	vld.idx.msk [tilespmem:v10+s4+$0x0], $0xffff;
	v17 =	vmul.f32 v58, v56;
	v7 =	vand.u32 $0xFFFFFE00, v16  }
0x146: {  	v5 =	vld.idx.msk [tilespmem:v5+s4+$0x0], $0xffff;
	v8 =	vmul.f32 v60, v56;
	v7 =	vor.u32 v18, v7  }
0x147: {  	v20 =	vor.u32 $0x80, v7;
	[tilespmem:v2+s14+$0x0] =	vst.idx.add.f32.msk $0xffff, v17  }
0x148: {  	[tilespmem:v3+s14+$0x0] =	vst.idx.add.f32.msk $0xffff, v8;
	v3 =	vor.u32 $0x100, v2  }
0x149: {  	v21 =	vld [tilespmem:s19+$0x4D0];
	v2 =	vor.u32 $0x180, v2  }
0x14a: {  	v24 =	vshll.u32 v19, $0x3;
	v35 =	vld [tilespmem:s19+$0xFFFFFFF0]  }
0x14b: {  	v26 =	vand.u32 $0x7F, v19;
	v4 =	vmul.f32 v63, v56;
	v10 =	vor.u32 $0x100, v7;
	v23 =	vld.idx.msk [tilespmem:v7+s4+$0x0], $0xffff  }
0x14c: {  	v27 =	vand.u32 $0xFFFFFC00, v24;
	v5 =	vmul.f32 v5, v56;
	v7 =	vor.u32 $0x180, v7;
	v25 =	vld.idx.msk [tilespmem:v20+s4+$0x0], $0xffff  }
0x14d: {  	[tilespmem:v3+s14+$0x0] =	vst.idx.add.f32.msk $0xffff, v4;
	v3 =	vor.u32 v26, v27  }
0x14e: {  	[tilespmem:v2+s14+$0x0] =	vst.idx.add.f32.msk $0xffff, v5;
	v2 =	vor.u32 $0x80, v3  }
0x14f: {  	v29 =	vshll.u32 v22, $0x2;
	v48 =	vld [tilespmem:s19+$0x0]  }
0x150: {  	v31 =	vand.u32 $0x7F, v22;
	v28 =	vld.idx.msk [tilespmem:v10+s4+$0x0], $0xffff;
	v30 =	vmul.f32 v23, v21;
	v5 =	vand.u32 $0xFFFFFE00, v29  }
0x151: {  	v7 =	vld.idx.msk [tilespmem:v7+s4+$0x0], $0xffff;
	v6 =	vmul.f32 v25, v21;
	v5 =	vor.u32 v31, v5  }
0x152: {  	v33 =	vor.u32 $0x80, v5;
	[tilespmem:v3+s14+$0x0] =	vst.idx.add.f32.msk $0xffff, v30  }
0x153: {  	[tilespmem:v2+s14+$0x0] =	vst.idx.add.f32.msk $0xffff, v6;
	v2 =	vor.u32 $0x100, v3  }
0x154: {  	v45 =	vld [tilespmem:s19+$0xFFFFFAF0];
	v3 =	vor.u32 $0x180, v3  }
0x155: {  	v37 =	vshll.u32 v32, $0x3;
	v47 =	vld [tilespmem:s19+$0x4F0]  }
0x156: {  	v40 =	vand.u32 $0xFFFFFC00, v37;
	v4 =	vmul.f32 v28, v21;
	v10 =	vor.u32 $0x100, v5;
	v36 =	vld.idx.msk [tilespmem:v5+s4+$0x0], $0xffff  }
0x157: {  	v39 =	vand.u32 $0x7F, v32;
	v7 =	vmul.f32 v7, v21;
	v5 =	vor.u32 $0x180, v5;
	v38 =	vld.idx.msk [tilespmem:v33+s4+$0x0], $0xffff  }
0x158: {  	[tilespmem:v2+s14+$0x0] =	vst.idx.add.f32.msk $0xffff, v4;
	v2 =	vor.u32 v39, v40  }
0x159: {  	[tilespmem:v3+s14+$0x0] =	vst.idx.add.f32.msk $0xffff, v7;
	v3 =	vor.u32 $0x80, v2  }
0x15a: {  	v42 =	vshll.u32 v35, $0x2;
	v61 =	vld [tilespmem:s19+$0x10]  }
0x15b: {  	v44 =	vand.u32 $0x7F, v35;
	v41 =	vld.idx.msk [tilespmem:v10+s4+$0x0], $0xffff;
	v43 =	vmul.f32 v36, v34;
	v7 =	vand.u32 $0xFFFFFE00, v42  }
0x15c: {  	v5 =	vld.idx.msk [tilespmem:v5+s4+$0x0], $0xffff;
	v8 =	vmul.f32 v38, v34;
	v7 =	vor.u32 v44, v7  }
0x15d: {  	v46 =	vor.u32 $0x80, v7;
	[tilespmem:v2+s14+$0x0] =	vst.idx.add.f32.msk $0xffff, v43  }
0x15e: {  	[tilespmem:v3+s14+$0x0] =	vst.idx.add.f32.msk $0xffff, v8;
	v3 =	vor.u32 $0x100, v2  }
0x15f: {  	v58 =	vld [tilespmem:s19+$0xFFFFFB00];
	v2 =	vor.u32 $0x180, v2  }
0x160: {  	v50 =	vshll.u32 v45, $0x3;
	v60 =	vld [tilespmem:s19+$0x500]  }
0x161: {  	v52 =	vand.u32 $0x7F, v45;
	v4 =	vmul.f32 v41, v34;
	v10 =	vor.u32 $0x100, v7;
	v49 =	vld.idx.msk [tilespmem:v7+s4+$0x0], $0xffff  }
0x162: {  	v53 =	vand.u32 $0xFFFFFC00, v50;
	v5 =	vmul.f32 v5, v34;
	v7 =	vor.u32 $0x180, v7;
	v51 =	vld.idx.msk [tilespmem:v46+s4+$0x0], $0xffff  }
0x163: {  	[tilespmem:v3+s14+$0x0] =	vst.idx.add.f32.msk $0xffff, v4;
	v3 =	vor.u32 v52, v53  }
0x164: {  	[tilespmem:v2+s14+$0x0] =	vst.idx.add.f32.msk $0xffff, v5;
	v2 =	vor.u32 $0x80, v3  }
0x165: {  	v55 =	vshll.u32 v48, $0x2;
	v26 =	vld [tilespmem:s19+$0x20]  }
0x166: {  	v57 =	vand.u32 $0x7F, v48;
	v54 =	vld.idx.msk [tilespmem:v10+s4+$0x0], $0xffff;
	v56 =	vmul.f32 v49, v47;
	v5 =	vand.u32 $0xFFFFFE00, v55  }
0x167: {  	v7 =	vld.idx.msk [tilespmem:v7+s4+$0x0], $0xffff;
	v6 =	vmul.f32 v51, v47;
	v5 =	vor.u32 v57, v5  }
0x168: {  	v59 =	vor.u32 $0x80, v5;
	[tilespmem:v3+s14+$0x0] =	vst.idx.add.f32.msk $0xffff, v56  }
0x169: {  	[tilespmem:v2+s14+$0x0] =	vst.idx.add.f32.msk $0xffff, v6;
	v2 =	vor.u32 $0x100, v3  }
0x16a: {  	v23 =	vld [tilespmem:s19+$0xFFFFFB10];
	v3 =	vor.u32 $0x180, v3  }
0x16b: {  	v63 =	vshll.u32 v58, $0x3;
	v25 =	vld [tilespmem:s19+$0x510]  }
0x16c: {  	v17 =	vand.u32 $0x7F, v58;
	v4 =	vmul.f32 v54, v47;
	v10 =	vor.u32 $0x100, v5;
	v62 =	vld.idx.msk [tilespmem:v5+s4+$0x0], $0xffff  }
0x16d: {  	v18 =	vand.u32 $0xFFFFFC00, v63;
	v7 =	vmul.f32 v7, v47;
	v5 =	vor.u32 $0x180, v5;
	v16 =	vld.idx.msk [tilespmem:v59+s4+$0x0], $0xffff  }
0x16e: {  	[tilespmem:v2+s14+$0x0] =	vst.idx.add.f32.msk $0xffff, v4;
	v2 =	vor.u32 v17, v18  }
0x16f: {  	[tilespmem:v3+s14+$0x0] =	vst.idx.add.f32.msk $0xffff, v7;
	v3 =	vor.u32 $0x80, v2  }
0x170: {  	v20 =	vshll.u32 v61, $0x2;
	v39 =	vld [tilespmem:s19+$0x30]  }
0x171: {  	v22 =	vand.u32 $0x7F, v61;
	v19 =	vld.idx.msk [tilespmem:v10+s4+$0x0], $0xffff;
	v21 =	vmul.f32 v62, v60;
	v7 =	vand.u32 $0xFFFFFE00, v20  }
0x172: {  	v5 =	vld.idx.msk [tilespmem:v5+s4+$0x0], $0xffff;
	v8 =	vmul.f32 v16, v60;
	v7 =	vor.u32 v22, v7  }
0x173: {  	v24 =	vor.u32 $0x80, v7;
	[tilespmem:v2+s14+$0x0] =	vst.idx.add.f32.msk $0xffff, v21  }
0x174: {  	[tilespmem:v3+s14+$0x0] =	vst.idx.add.f32.msk $0xffff, v8;
	v3 =	vor.u32 $0x100, v2  }
0x175: {  	v36 =	vld [tilespmem:s19+$0xFFFFFB20];
	v2 =	vor.u32 $0x180, v2  }
0x176: {  	v28 =	vshll.u32 v23, $0x3;
	v38 =	vld [tilespmem:s19+$0x520]  }
0x177: {  	v30 =	vand.u32 $0x7F, v23;
	v4 =	vmul.f32 v19, v60;
	v10 =	vor.u32 $0x100, v7;
	v27 =	vld.idx.msk [tilespmem:v7+s4+$0x0], $0xffff  }
0x178: {  	v31 =	vand.u32 $0xFFFFFC00, v28;
	v5 =	vmul.f32 v5, v60;
	v7 =	vor.u32 $0x180, v7;
	v29 =	vld.idx.msk [tilespmem:v24+s4+$0x0], $0xffff  }
0x179: {  	[tilespmem:v3+s14+$0x0] =	vst.idx.add.f32.msk $0xffff, v4;
	v3 =	vor.u32 v30, v31  }
0x17a: {  	v41 =	vshll.u32 v36, $0x3;
	[tilespmem:v2+s14+$0x0] =	vst.idx.add.f32.msk $0xffff, v5;
	v2 =	vor.u32 $0x80, v3  }
0x17b: {  	v33 =	vshll.u32 v26, $0x2;
	v44 =	vand.u32 $0xFFFFFC00, v41;
	v41 =	vld [tilespmem:s19+$0x70]  }
0x17c: {  	v35 =	vand.u32 $0x7F, v26;
	v32 =	vld.idx.msk [tilespmem:v10+s4+$0x0], $0xffff;
	v34 =	vmul.f32 v27, v25;
	v5 =	vand.u32 $0xFFFFFE00, v33  }
0x17d: {  	v7 =	vld.idx.msk [tilespmem:v7+s4+$0x0], $0xffff;
	v6 =	vmul.f32 v29, v25;
	v5 =	vor.u32 v35, v5  }
0x17e: {  	v37 =	vor.u32 $0x80, v5;
	[tilespmem:v3+s14+$0x0] =	vst.idx.add.f32.msk $0xffff, v34  }
0x17f: {  	[tilespmem:v2+s14+$0x0] =	vst.idx.add.f32.msk $0xffff, v6;
	v2 =	vor.u32 $0x100, v3  }
0x180: {  	v48 =	vand.u32 $0x7F, v39;
	v46 =	vshll.u32 v39, $0x2;
	v39 =	vld [tilespmem:s19+$0xFFFFFB60];
	v3 =	vor.u32 $0x180, v3  }
0x181: {  	v52 =	vld [tilespmem:s19+$0x40]  }
0x182: {  	v4 =	vmul.f32 v32, v25;
	v10 =	vor.u32 $0x100, v5;
	v40 =	vld.idx.msk [tilespmem:v5+s4+$0x0], $0xffff  }
0x183: {  	v43 =	vand.u32 $0x7F, v36;
	v7 =	vmul.f32 v7, v25;
	v5 =	vor.u32 $0x180, v5;
	v42 =	vld.idx.msk [tilespmem:v37+s4+$0x0], $0xffff  }
0x184: {  	[tilespmem:v2+s14+$0x0] =	vst.idx.add.f32.msk $0xffff, v4;
	v2 =	vor.u32 v43, v44  }
0x185: {  	[tilespmem:v3+s14+$0x0] =	vst.idx.add.f32.msk $0xffff, v7;
	v3 =	vor.u32 $0x80, v2  }
0x186: {  	v49 =	vld [tilespmem:s19+$0xFFFFFB30]  }
0x187: {  	v45 =	vld.idx.msk [tilespmem:v10+s4+$0x0], $0xffff;
	v47 =	vmul.f32 v40, v38;
	v7 =	vand.u32 $0xFFFFFE00, v46  }
0x188: {  	v5 =	vld.idx.msk [tilespmem:v5+s4+$0x0], $0xffff;
	v8 =	vmul.f32 v42, v38;
	v7 =	vor.u32 v48, v7  }
0x189: {  	v50 =	vor.u32 $0x80, v7;
	[tilespmem:v2+s14+$0x0] =	vst.idx.add.f32.msk $0xffff, v47  }
0x18a: {  	[tilespmem:v3+s14+$0x0] =	vst.idx.add.f32.msk $0xffff, v8;
	v3 =	vor.u32 $0x100, v2  }
0x18b: {  	v51 =	vld [tilespmem:s19+$0x530];
	v2 =	vor.u32 $0x180, v2  }
0x18c: {  	v54 =	vshll.u32 v49, $0x3;
	v17 =	vld [tilespmem:s19+$0x50]  }
0x18d: {  	v56 =	vand.u32 $0x7F, v49;
	v4 =	vmul.f32 v45, v38;
	v10 =	vor.u32 $0x100, v7;
	v53 =	vld.idx.msk [tilespmem:v7+s4+$0x0], $0xffff  }
0x18e: {  	v57 =	vand.u32 $0xFFFFFC00, v54;
	v5 =	vmul.f32 v5, v38;
	v7 =	vor.u32 $0x180, v7;
	v55 =	vld.idx.msk [tilespmem:v50+s4+$0x0], $0xffff  }
0x18f: {  	[tilespmem:v3+s14+$0x0] =	vst.idx.add.f32.msk $0xffff, v4;
	v3 =	vor.u32 v56, v57  }
0x190: {  	[tilespmem:v2+s14+$0x0] =	vst.idx.add.f32.msk $0xffff, v5;
	v2 =	vor.u32 $0x80, v3  }
0x191: {  	v59 =	vshll.u32 v52, $0x2;
	v62 =	vld [tilespmem:s19+$0xFFFFFB40]  }
0x192: {  	v61 =	vand.u32 $0x7F, v52;
	v58 =	vld.idx.msk [tilespmem:v10+s4+$0x0], $0xffff;
	v60 =	vmul.f32 v53, v51;
	v5 =	vand.u32 $0xFFFFFE00, v59  }
0x193: {  	v7 =	vld.idx.msk [tilespmem:v7+s4+$0x0], $0xffff;
	v6 =	vmul.f32 v55, v51;
	v5 =	vor.u32 v61, v5  }
0x194: {  	v63 =	vor.u32 $0x80, v5;
	[tilespmem:v3+s14+$0x0] =	vst.idx.add.f32.msk $0xffff, v60  }
0x195: {  	[tilespmem:v2+s14+$0x0] =	vst.idx.add.f32.msk $0xffff, v6;
	v2 =	vor.u32 $0x100, v3  }
0x196: {  	v16 =	vld [tilespmem:s19+$0x540];
	v3 =	vor.u32 $0x180, v3  }
0x197: {  	v30 =	vld [tilespmem:s19+$0x60];
	v10 =	vor.u32 $0x100, v5  }
0x198: {  	v19 =	vshll.u32 v62, $0x3;
	v4 =	vmul.f32 v58, v51;
	v18 =	vld.idx.msk [tilespmem:v5+s4+$0x0], $0xffff;
	v5 =	vor.u32 $0x180, v5  }
0x199: {  	v21 =	vand.u32 $0x7F, v62;
	v22 =	vand.u32 $0xFFFFFC00, v19;
	v7 =	vmul.f32 v7, v51;
	v20 =	vld.idx.msk [tilespmem:v63+s4+$0x0], $0xffff  }
0x19a: {  	[tilespmem:v2+s14+$0x0] =	vst.idx.add.f32.msk $0xffff, v4;
	v2 =	vor.u32 v21, v22  }
0x19b: {  	v24 =	vshll.u32 v17, $0x2;
	[tilespmem:v3+s14+$0x0] =	vst.idx.add.f32.msk $0xffff, v7;
	v3 =	vor.u32 $0x80, v2  }
0x19c: {  	v26 =	vand.u32 $0x7F, v17;
	v23 =	vld.idx.msk [tilespmem:v10+s4+$0x0], $0xffff;
	v7 =	vand.u32 $0xFFFFFE00, v24  }
0x19d: {  	v25 =	vmul.f32 v18, v16;
	v5 =	vld.idx.msk [tilespmem:v5+s4+$0x0], $0xffff;
	v7 =	vor.u32 v26, v7  }
0x19e: {  	v27 =	vld [tilespmem:s19+$0xFFFFFB50];
	v28 =	vor.u32 $0x100, v2;
	v8 =	vmul.f32 v20, v16  }
0x19f: {  	[tilespmem:v2+s14+$0x0] =	vst.idx.add.f32.msk $0xffff, v25;
	v2 =	vor.u32 $0x180, v2  }
0x1a0: {  	[tilespmem:v3+s14+$0x0] =	vst.idx.add.f32.msk $0xffff, v8;
	v3 =	vor.u32 $0x80, v7  }
0x1a1: {  	v29 =	vld [tilespmem:s19+$0x550];
	v4 =	vmul.f32 v23, v16;
	v10 =	vor.u32 $0x100, v7  }
0x1a2: {  	v5 =	vmul.f32 v5, v16;
	v31 =	vld.idx.msk [tilespmem:v7+s4+$0x0], $0xffff  }
0x1a3: {  	v36 =	vshll.u32 v30, $0x2;
	v32 =	vshll.u32 v27, $0x3;
	[tilespmem:v28+s14+$0x0] =	vst.idx.add.f32.msk $0xffff, v4  }
0x1a4: {  	v38 =	vand.u32 $0x7F, v30;
	v6 =	vand.u32 $0xFFFFFE00, v36;
	v7 =	vor.u32 $0x180, v7;
	[tilespmem:v2+s14+$0x0] =	vst.idx.add.f32.msk $0xffff, v5  }
0x1a5: {  	v33 =	vand.u32 $0x7F, v27;
	v34 =	vand.u32 $0xFFFFFC00, v32;
	v6 =	vor.u32 v38, v6;
	v3 =	vld.idx.msk [tilespmem:v3+s4+$0x0], $0xffff  }
0x1a6: {  	v4 =	vor.u32 v33, v34;
	v2 =	vld.idx.msk [tilespmem:v10+s4+$0x0], $0xffff  }
0x1a7: {  	v42 =	vld [tilespmem:s19+$0x560];
	v35 =	vor.u32 $0x80, v4  }
0x1a8: {  	v58 =	vld [tilespmem:s19+$0x570];
	v40 =	vor.u32 $0x100, v4  }
0x1a9: {  	v37 =	vmul.f32 v31, v29;
	v7 =	vld.idx.msk [tilespmem:v7+s4+$0x0], $0xffff  }
0x1aa: {  	v44 =	vor.u32 $0x100, v6;
	v43 =	vld.idx.msk [tilespmem:v6+s4+$0x0], $0xffff;
	v3 =	vmul.f32 v3, v29  }
0x1ab: {  	v45 =	vshll.u32 v39, $0x3;
	[tilespmem:v4+s14+$0x0] =	vst.idx.add.f32.msk $0xffff, v37;
	v4 =	vor.u32 $0x180, v4;
	v2 =	vmul.f32 v2, v29  }
0x1ac: {  	v46 =	vand.u32 $0x7F, v39;
	v47 =	vand.u32 $0xFFFFFC00, v45;
	[tilespmem:v35+s14+$0x0] =	vst.idx.add.f32.msk $0xffff, v3;
	v3 =	vor.u32 $0x80, v6  }
0x1ad: {  	v49 =	vshll.u32 v41, $0x2;
	v48 =	vor.u32 v46, v47;
	[tilespmem:v40+s14+$0x0] =	vst.idx.add.f32.msk $0xffff, v2;
	v2 =	vor.u32 $0x180, v6  }
0x1ae: {  	v50 =	vand.u32 $0x7F, v41;
	v51 =	vld [tilespmem:s19+$0xFFFFFB70];
	v7 =	vmul.f32 v7, v29;
	v6 =	vand.u32 $0xFFFFFE00, v49  }
0x1af: {  	v53 =	vld.idx.msk [tilespmem:v44+s4+$0x0], $0xffff;
	v6 =	vor.u32 v50, v6  }
0x1b0: {  	[tilespmem:v4+s14+$0x0] =	vst.idx.add.f32.msk $0xffff, v7;
	v54 =	vor.u32 $0x80, v6  }
0x1b1: {  	v52 =	vmul.f32 v43, v42;
	v55 =	vor.u32 $0x100, v6;
	v3 =	vld.idx.msk [tilespmem:v3+s4+$0x0], $0xffff  }
0x1b2: {  	v56 =	vor.u32 $0x180, v6;
	v2 =	vld.idx.msk [tilespmem:v2+s4+$0x0], $0xffff  }
0x1b3: {  	v57 =	vor.u32 $0x80, v48;
	[tilespmem:v48+s14+$0x0] =	vst.idx.add.f32.msk $0xffff, v52  }
0x1b4: {  	v59 =	vor.u32 $0x100, v48;
	v15 =	vshll.u32 v51, $0x3;
	v6 =	vld.idx.msk [tilespmem:v6+s4+$0x0], $0xffff  }
0x1b5: {  	v9 =	vand.u32 $0x7F, v51;
	v15 =	vand.u32 $0xFFFFFC00, v15;
	v4 =	vor.u32 $0x180, v48;
	v10 =	vld.idx.msk [tilespmem:v54+s4+$0x0], $0xffff  }
0x1b6: {  	v9 =	vor.u32 v9, v15;
	v11 =	vld.idx.msk [tilespmem:v55+s4+$0x0], $0xffff;
	v3 =	vmul.f32 v3, v42  }
0x1b7: {  	v15 =	vor.u32 $0x80, v9;
	v8 =	vmul.f32 v53, v42;
	v7 =	vld.idx.msk [tilespmem:v56+s4+$0x0], $0xffff  }
0x1b8: {  	s18 =	sadd.s32 $0x10, s18;
	v2 =	vmul.f32 v2, v42;
	[tilespmem:v57+s14+$0x0] =	vst.idx.add.f32.msk $0xffff, v3;
	v3 =	vor.u32 $0x100, v9  }
0x1b9: {  	p0 =	slt.u32 s18, $0x40;
	v61 =	vor.u32 $0x180, v9;
	v60 =	vmul.f32 v6, v58;
	[tilespmem:v59+s14+$0x0] =	vst.idx.add.f32.msk $0xffff, v8  }
.Ltmp4:
0x1ba: {  	[tilespmem:v4+s14+$0x0] =	vst.idx.add.f32.msk $0xffff, v2;
	v2 =	vmul.f32 v10, v58;
	(pc) =	sbr.rel @p0 .LBB2_7-.Ltmp4, $4  }
0x1bb: {  	v62 =	vmul.f32 v11, v58;
	[tilespmem:v9+s14+$0x0] =	vst.idx.add.f32.msk $0xffff, v60  }
0x1bc: {  	v63 =	vmul.f32 v7, v58;
	[tilespmem:v15+s14+$0x0] =	vst.idx.add.f32.msk $0xffff, v2  }
0x1bd: {  	[tilespmem:v3+s14+$0x0] =	vst.idx.add.f32.msk $0xffff, v62  }
0x1be: {  	s19 =	sadd.s32 $0x100, s19;
	[tilespmem:v61+s14+$0x0] =	vst.idx.add.f32.msk $0xffff, v63  }
0x1bf: {  	s17 =	sadd.s32 $0x1, s17  }
0x1c0: {  	p0 =	sne.s32 s17, $0x7D  }
.Ltmp5:
0x1c1: {  	_ = 	snop;
	(pc) =	sbr.rel @p0 .LBB2_4-.Ltmp5, $1  }
0x1c2: {  	_ =	sdelay $0x3  }
.Ltmp6:
0x1c3: {  	(pc) =	sbr.rel .LBB2_10-.Ltmp6, $4  }
0x1c4: {  	_ = 	snop  }
0x1c5: {  	_ =	swait.ge [sflag:s11], $0xF00  }
0x1c6: {  	[sflag:s11] =	ssyncset.done $0x0  }
0x1c7: {  	s17 =	simm.s32 $0x0;
	[sflag:s11] =	ssyncadd.s32 $0xFFFFF100  }
.LBB2_14:
0x1c8: {  	s17 =	sadd.s32 $0x1, s17  }
0x1c9: {  	p0 =	sne.s32 s17, $0x8  }
.Ltmp7:
0x1ca: {  	_ = 	snop;
	(pc) =	sbr.rel @!p0 .LBB2_15-.Ltmp7, $1  }
0x1cb: {  	_ =	sdelay $0x3  }
.LBB2_10:
0x1cc: {  	s18 =	sshll.u32 s17, $0x5  }
0x1cd: {  	s18 =	sor.u32 s3, s18  }
0x1ce: {  	p0 =	sgt.u32 s18, $0xF9  }
.Ltmp8:
0x1cf: {  	_ = 	snop;
	(pc) =	sbr.rel @p0 .LBB2_14-.Ltmp8, $1  }
0x1d0: {  	_ =	sdelay $0x3  }
0x1d1: {  	s18 =	smul.u32 $0x1E0, s18;
	_ =	sdelay $0x1  }
0x1d2: {  	s18 =	sadd.s32 s2, s18  }
0x1d3: {  	[tilespmem:s12], [sflag:$0x3] =	stream.linear.gather [hbm4b:s18+s4], $0xF00, $0x38;
	[tilespmem:$0x1FE00] =	vst v63  }
0x1d4: {  	_ =	swait.ge [sflag:s10], $0xF00  }
0x1d5: {  	[sflag:s10] =	ssyncset.done $0x0  }
0x1d6: {  	s19 =	simm.s32 $0x1E040;
	[sflag:s10] =	ssyncadd.s32 $0xFFFFF100  }
0x1d7: {  	v2 =	vld [tilespmem:s19+$0x10];
	_ =	sdelay $0x1  }
0x1d8: {  	v3 =	vld [tilespmem:s19+$0xFFFFFFC0];
	_ =	sdelay $0x1  }
0x1d9: {  	v4 =	vld [tilespmem:s19+$0x20]  }
0x1da: {  	v5 =	vshll.u32 v2, $0x3  }
0x1db: {  	v2 =	vand.u32 $0x7F, v2;
	v5 =	vand.u32 $0xFFFFFC00, v5  }
0x1dc: {  	v7 =	vld [tilespmem:s19+$0xFFFFFFD0];
	v2 =	vor.u32 v5, v2;
	v5 =	vshll.u32 v3, $0x3  }
0x1dd: {  	v11 =	vld [tilespmem:s19+$0x30];
	v9 =	vor.u32 $0x200, v2;
	v2 =	vand.u32 $0x7F, v3;
	v3 =	vand.u32 $0xFFFFFC00, v5  }
0x1de: {  	v10 =	vld [tilespmem:s19+$0x0];
	v2 =	vor.u32 v3, v2;
	v3 =	vshll.u32 v4, $0x3  }
0x1df: {  	v5 =	vand.u32 $0x7F, v4;
	v4 =	vor.u32 $0x200, v2;
	v3 =	vand.u32 $0xFFFFFC00, v3;
	v2 =	vld [tilespmem:s19+$0xFFFFFFE0]  }
0x1e0: {  	v3 =	vor.u32 v3, v5  }
0x1e1: {  	v5 =	vshll.u32 v7, $0x3;
	v3 =	vor.u32 $0x200, v3  }
0x1e2: {  	v6 =	vand.u32 $0x7F, v11;
	v11 =	vshll.u32 v11, $0x3;
	v8 =	vand.u32 $0xFFFFFC00, v5;
	v5 =	vld [tilespmem:s19+$0xFFFFFFF0]  }
0x1e3: {  	s18 =	simm.s32 $0x0;
	v7 =	vand.u32 $0x7F, v7;
	s19 =	simm.s32 $0x1E0C0;
	[tilespmem:v9+s14+$0x0] =	vst.idx.add.f32.msk $0xffff, v1;
	v9 =	vand.u32 $0x7F, v10;
	v10 =	vshll.u32 v10, $0x3  }
.LBB2_12:
0x1e4: {  	s18 =	sadd.s32 $0x8, s18;
	[tilespmem:v4+s14+$0x0] =	vst.idx.add.f32.msk $0xffff, v1;
	v4 =	vand.u32 $0x7F, v2;
	v10 =	vand.u32 $0xFFFFFC00, v10;
	v11 =	vand.u32 $0xFFFFFC00, v11  }
0x1e5: {  	v2 =	vshll.u32 v2, $0x3;
	v12 =	vld [tilespmem:s19+$0x10];
	p0 =	slt.u32 s18, $0x48;
	v9 =	vor.u32 v10, v9;
	v6 =	vor.u32 v11, v6  }
0x1e6: {  	v7 =	vor.u32 v8, v7;
	v2 =	vand.u32 $0xFFFFFC00, v2;
	[tilespmem:v3+s14+$0x0] =	vst.idx.add.f32.msk $0xffff, v1;
	v3 =	vor.u32 $0x200, v6  }
0x1e7: {  	v2 =	vor.u32 v2, v4;
	v4 =	vor.u32 $0x200, v9;
	v6 =	vld [tilespmem:s19+$0xFFFFFFC0]  }
0x1e8: {  	v7 =	vor.u32 $0x200, v7;
	v9 =	vor.u32 $0x200, v2;
	v8 =	vld [tilespmem:s19+$0xFFFFFFD0];
	v2 =	vshll.u32 v5, $0x3  }
0x1e9: {  	v5 =	vand.u32 $0x7F, v5;
	v10 =	vld [tilespmem:s19+$0x20];
	v2 =	vand.u32 $0xFFFFFC00, v2  }
0x1ea: {  	v11 =	vshll.u32 v12, $0x3;
	v13 =	vld [tilespmem:s19+$0x30];
	v5 =	vor.u32 v2, v5  }
0x1eb: {  	v12 =	vand.u32 $0x7F, v12;
	v2 =	vld [tilespmem:s19+$0xFFFFFFE0];
	v11 =	vand.u32 $0xFFFFFC00, v11;
	v5 =	vor.u32 $0x200, v5  }
0x1ec: {  	v14 =	vshll.u32 v6, $0x3;
	v11 =	vor.u32 v11, v12;
	[tilespmem:v4+s14+$0x0] =	vst.idx.add.f32.msk $0xffff, v1  }
0x1ed: {  	v4 =	vand.u32 $0x7F, v6;
	v6 =	vand.u32 $0xFFFFFC00, v14;
	v11 =	vor.u32 $0x200, v11;
	[tilespmem:v3+s14+$0x0] =	vst.idx.add.f32.msk $0xffff, v1  }
0x1ee: {  	v3 =	vor.u32 v6, v4;
	v12 =	vld [tilespmem:s19+$0x0];
	v14 =	vand.u32 $0x7F, v10;
	v6 =	vshll.u32 v10, $0x3  }
.Ltmp9:
0x1ef: {  	v4 =	vor.u32 $0x200, v3;
	v3 =	vand.u32 $0xFFFFFC00, v6;
	v6 =	vand.u32 $0x7F, v13;
	[tilespmem:v7+s14+$0x0] =	vst.idx.add.f32.msk $0xffff, v1;
	(pc) =	sbr.rel @p0 .LBB2_12-.Ltmp9, $4  }
0x1f0: {  	v3 =	vor.u32 v3, v14;
	[tilespmem:v9+s14+$0x0] =	vst.idx.add.f32.msk $0xffff, v1  }
0x1f1: {  	v9 =	vshll.u32 v8, $0x3;
	v3 =	vor.u32 $0x200, v3;
	[tilespmem:v5+s14+$0x0] =	vst.idx.add.f32.msk $0xffff, v1  }
0x1f2: {  	v7 =	vand.u32 $0x7F, v8;
	v8 =	vand.u32 $0xFFFFFC00, v9;
	[tilespmem:v11+s14+$0x0] =	vst.idx.add.f32.msk $0xffff, v1  }
0x1f3: {  	v11 =	vshll.u32 v13, $0x3;
	v5 =	vld [tilespmem:s19+$0xFFFFFFF0];
	v9 =	vand.u32 $0x7F, v12;
	v10 =	vshll.u32 v12, $0x3;
	s19 =	sadd.s32 $0x80, s19  }
0x1f4: {  	_ = 	snop  }
0x1f5: {  	v10 =	vand.u32 $0xFFFFFC00, v10;
	v11 =	vand.u32 $0xFFFFFC00, v11;
	v59 =	vand.u32 $0x7F, v2  }
0x1f6: {  	v2 =	vshll.u32 v2, $0x3;
	v7 =	vor.u32 v8, v7;
	v9 =	vor.u32 v10, v9  }
0x1f7: {  	v6 =	vor.u32 v11, v6;
	v2 =	vand.u32 $0xFFFFFC00, v2;
	v7 =	vor.u32 $0x200, v7  }
0x1f8: {  	v60 =	vor.u32 $0x200, v9;
	v6 =	vor.u32 $0x200, v6;
	v61 =	vshll.u32 v5, $0x3  }
0x1f9: {  	v2 =	vor.u32 v2, v59;
	v62 =	vand.u32 $0x7F, v5;
	v9 =	vand.u32 $0xFFFFFC00, v61  }
0x1fa: {  	[tilespmem:v4+s14+$0x0] =	vst.idx.add.f32.msk $0xffff, v1;
	v2 =	vor.u32 $0x200, v2;
	v63 =	vor.u32 v9, v62  }
0x1fb: {  	[tilespmem:v3+s14+$0x0] =	vst.idx.add.f32.msk $0xffff, v1;
	v3 =	vor.u32 $0x200, v63  }
.Ltmp10:
0x1fc: {  	[tilespmem:v7+s14+$0x0] =	vst.idx.add.f32.msk $0xffff, v1;
	(pc) =	sbr.rel .LBB2_14-.Ltmp10, $4  }
0x1fd: {  	[tilespmem:v60+s14+$0x0] =	vst.idx.add.f32.msk $0xffff, v1  }
0x1fe: {  	[tilespmem:v6+s14+$0x0] =	vst.idx.add.f32.msk $0xffff, v1  }
0x1ff: {  	[tilespmem:v2+s14+$0x0] =	vst.idx.add.f32.msk $0xffff, v1  }
0x200: {  	[tilespmem:v3+s14+$0x0] =	vst.idx.add.f32.msk $0xffff, v1  }
.LBB2_16:
0x201: {  	_ =	sfence.sel $0x180000  }
0x202: {  	[bflag:$0x0] =	sbarrier.arrive $0xFFFF  }
0x203: {  	p0 =	sne.s32 s0, $0x0;
	_ =	strace $0x9000004A  }
0x204: {  	s0 =	sadd.s32 @!p0 $0x100000, s1;
	[bflag:$0x2] =	sbarrier.arrive $0xFFFF  }
0x205: {  	[sflag:s0] =	ssyncadd.tile.s32 @!p0 $0x1;
	_ =	shalt  }
.Lfunc_end2:
_tile_overlayer_lowered:
.L_overlay_start_2:
0x206: {  	(tag) =	ssettag $0x2  }
0x207: {  	s0 =	rddreg [dreg:$0x0];
	s2 =	stileid.u32  }
0x208: {  	s1 =	rddreg [dreg:$0x1];
	p0 =	sne.s32 s2, $0x0  }
0x209: {  	s3 =	rddreg [dreg:$0x2];
	[bflag:$0x3] =	sbarrier.arrive $0xFFFF;
	s2 =	simm.s32 @!p0 $0x1C03  }
0x20a: {  	[timem:s3], [sflag:s2] =	dma.local @!p0 [hbm:s0], s1  }
0x20b: {  	s0 =	simm.s32 @!p0 $0x3  }
0x20c: {  	_ =	swait.ge @!p0 [sflag:s0], s1  }
0x20d: {  	s1 =	ssub.s32 @!p0 $0x0, s1;
	[sflag:s0] =	ssyncset.done @!p0 $0x0  }
0x20e: {  	[sflag:s0] =	ssyncadd.s32 @!p0 s1  }
0x20f: {  	[bflag:$0x3] =	sbarrier.arrive $0xFFFF  }
0x210: {  	_ =	shalt  }

</sc_bundles>
